<compile_context>
chip_gen: v7x
topology: tpu7x:2x2x1
jax: 0.10.2.dev20260603
libtpu: 0.0.44.dev20260713+nightly
codegen_flags: <defaults>
</compile_context>

<pallas_src>
import functools

import jax
import jax.numpy as jnp
from jax import lax
from jax.experimental import pallas as pl
from jax.experimental.pallas import tpu as pltpu
from jax.experimental.pallas import tpu_sc as plsc

_EPS = 1e-08
_N = 3276800
_NC = 2
_NS = 16
_NW = _NC * _NS
_PER_W = _N // _NW
_NBUF = 4
_CHUNK = 6400
_NCHUNK = _PER_W // _CHUNK
_L = 16


def _body(x_hbm, g_hbm, mins_hbm, maxs_hbm, out_hbm, scale_v, offs_v, *rest):
    xbufs = rest[0:_NBUF]
    gbufs = rest[_NBUF:2 * _NBUF]
    obufs = rest[2 * _NBUF:3 * _NBUF]
    ld_sems = rest[3 * _NBUF:4 * _NBUF]
    st_sems = rest[4 * _NBUF:5 * _NBUF]

    wid = lax.axis_index("s") * _NC + lax.axis_index("c")
    base = wid * _PER_W

    def start_load(c, b):
        off = base + c * _CHUNK
        pltpu.async_copy(x_hbm.at[pl.ds(off, _CHUNK)], xbufs[b], ld_sems[b])
        pltpu.async_copy(g_hbm.at[pl.ds(off, _CHUNK)], gbufs[b], ld_sems[b])

    def wait_load(b):
        pltpu.make_async_copy(
            x_hbm.at[pl.ds(0, _CHUNK)], xbufs[b], ld_sems[b]).wait()
        pltpu.make_async_copy(
            g_hbm.at[pl.ds(0, _CHUNK)], gbufs[b], ld_sems[b]).wait()

    def wait_store(b):
        pltpu.make_async_copy(
            obufs[b], out_hbm.at[pl.ds(0, _CHUNK)], st_sems[b]).wait()

    def start_store(c, b):
        off = base + c * _CHUNK
        pltpu.async_copy(obufs[b], out_hbm.at[pl.ds(off, _CHUNK)], st_sems[b])

    def compute(b, scale_reg, offs_reg):
        xb, gb, ob = xbufs[b], gbufs[b], obufs[b]

        @plsc.parallel_loop(0, _CHUNK // _L, unroll=8)
        def vec_body(i):
            s = pl.ds(i * _L, _L)
            idx = gb[s] - 1
            sg = jnp.take_along_axis(
                scale_reg, idx, axis=0, mode="promise_in_bounds")
            og = jnp.take_along_axis(
                offs_reg, idx, axis=0, mode="promise_in_bounds")
            ob[s] = xb[s] * sg + og

    for b in range(_NBUF - 1):
        start_load(b, b)

    pltpu.sync_copy(mins_hbm, scale_v)
    pltpu.sync_copy(maxs_hbm, offs_v)
    m = scale_v[...]
    M = offs_v[...]
    scale_reg = (1.0 - 2.0 * _EPS) / (M - m)
    offs_reg = _EPS - m * scale_reg

    @pl.loop(0, _NCHUNK, step=_NBUF)
    def chunk_ring(c):
        for j in range(_NBUF):
            b = j
            cj = c + j

            wait_load(b)

            @pl.when(cj >= _NBUF)
            def _():
                wait_store(b)

            compute(b, scale_reg, offs_reg)
            start_store(cj, b)

            @pl.when(cj + _NBUF - 1 < _NCHUNK)
            def _():
                start_load(cj + _NBUF - 1, (b + _NBUF - 1) % _NBUF)

    for b in range(_NBUF):
        wait_store(b)


@jax.jit
def _run(x, group, mins, maxs):
    mesh = plsc.VectorSubcoreMesh(core_axis_name="c", subcore_axis_name="s")
    kern = functools.partial(
        pl.kernel,
        mesh=mesh,
        compiler_params=pltpu.CompilerParams(needs_layout_passes=False),
        out_type=jax.ShapeDtypeStruct((_N,), jnp.float32),
        scratch_types=(
            [
                pltpu.VMEM((_L,), jnp.float32),
                pltpu.VMEM((_L,), jnp.float32),
            ]
            + [pltpu.VMEM((_CHUNK,), jnp.float32) for _ in range(_NBUF)]
            + [pltpu.VMEM((_CHUNK,), jnp.int32) for _ in range(_NBUF)]
            + [pltpu.VMEM((_CHUNK,), jnp.float32) for _ in range(_NBUF)]
            + [pltpu.SemaphoreType.DMA for _ in range(_NBUF)]
            + [pltpu.SemaphoreType.DMA for _ in range(_NBUF)]
        ),
    )(_body)
    return kern(x, group, mins, maxs)


def kernel(x, group, mins, maxs):
    return _run(x, group, mins, maxs)

# --- scband reference (transcript-rebuilt; emitter-appended) ---
"""Pipeline reference for scband-cont-transformer-range-grouped-17008070492783 (READ-ONLY COPY).

The authoritative reference and input builder live on the scoring server;
editing this copy changes nothing except your own understanding.
"""

import jax, jax.numpy as jnp
import numpy as np

EPS = 1e-08
NUM_GROUPS = 16
N = 3276800


def setup_inputs(seed: int = 0) -> dict:
    key = jax.random.key(seed)
    k1, k2 = jax.random.split(key)
    # continuous values to be range-normalized
    x = jax.random.normal(k1, (N,), dtype=jnp.float32) * 10.0
    # group ids are 1-indexed (forward does index_select with group - 1)
    group = jax.random.randint(k2, (N,), 1, NUM_GROUPS + 1)
    # Buffers computed in __init__ from the fit data:
    # group g (1..16) has min = g-1, max = g-1+100 (matches init_kwargs x/group lists)
    gids = np.arange(1, NUM_GROUPS + 1)
    mins = jnp.asarray((gids - 1).astype(np.float32))
    maxs = jnp.asarray((gids - 1 + 100.0).astype(np.float32))
    return {"x": x, "group": group, "mins": mins, "maxs": maxs}


def reference(x, group, mins, maxs):
    # mins.index_select(0, group - 1) / maxs.index_select(0, group - 1)
    idx = group - 1
    m = mins[idx]
    M = maxs[idx]
    # x_range == '0-1'
    out = EPS + (1.0 - 2.0 * EPS) * (x - m) / (M - m)
    return out.astype(jnp.float32)

if __name__ == "__main__":
    import jax
    _d = setup_inputs()
    print(jax.jit(kernel)(*tuple(_d.values())))

</pallas_src>

<mosaic_0001>
#map = affine_map<(d0, d1) -> (0)>
module attributes {stable_mosaic.version = 14 : i64} {
  func.func @_body(%arg0: i32, %arg1: i32, %arg2: memref<3276800xf32, #tpu.memory_space<hbm>>, %arg3: memref<3276800xi32, #tpu.memory_space<hbm>>, %arg4: memref<16xf32, #tpu.memory_space<hbm>>, %arg5: memref<16xf32, #tpu.memory_space<hbm>>, %arg6: memref<3276800xf32, #tpu.memory_space<hbm>>, %arg7: memref<16xf32, #tpu.memory_space<vmem>>, %arg8: memref<16xf32, #tpu.memory_space<vmem>>, %arg9: memref<6400xf32, #tpu.memory_space<vmem>>, %arg10: memref<6400xf32, #tpu.memory_space<vmem>>, %arg11: memref<6400xf32, #tpu.memory_space<vmem>>, %arg12: memref<6400xf32, #tpu.memory_space<vmem>>, %arg13: memref<6400xi32, #tpu.memory_space<vmem>>, %arg14: memref<6400xi32, #tpu.memory_space<vmem>>, %arg15: memref<6400xi32, #tpu.memory_space<vmem>>, %arg16: memref<6400xi32, #tpu.memory_space<vmem>>, %arg17: memref<6400xf32, #tpu.memory_space<vmem>>, %arg18: memref<6400xf32, #tpu.memory_space<vmem>>, %arg19: memref<6400xf32, #tpu.memory_space<vmem>>, %arg20: memref<6400xf32, #tpu.memory_space<vmem>>, %arg21: memref<!tpu.dma_semaphore, #tpu.memory_space<semaphore_mem>>, %arg22: memref<!tpu.dma_semaphore, #tpu.memory_space<semaphore_mem>>, %arg23: memref<!tpu.dma_semaphore, #tpu.memory_space<semaphore_mem>>, %arg24: memref<!tpu.dma_semaphore, #tpu.memory_space<semaphore_mem>>, %arg25: memref<!tpu.dma_semaphore, #tpu.memory_space<semaphore_mem>>, %arg26: memref<!tpu.dma_semaphore, #tpu.memory_space<semaphore_mem>>, %arg27: memref<!tpu.dma_semaphore, #tpu.memory_space<semaphore_mem>>, %arg28: memref<!tpu.dma_semaphore, #tpu.memory_space<semaphore_mem>>) attributes {dimension_semantics = [#tpu.dimension_semantics<core_parallel>, #tpu.dimension_semantics<subcore_parallel>], iteration_bounds = array<i64: 2, 16>, scalar_prefetch = 0 : i64, scratch_operands = 22 : i64, tpu.core_type = #tpu.core_type<sc_vector_subcore>, window_params = [{transform_indices = #map}, {transform_indices = #map}, {transform_indices = #map}, {transform_indices = #map}, {transform_indices = #map}]} {
    %mul3A = arith.constant 2 : i32
    %mul3A_0 = arith.muli %arg1, %mul3A : i32
    %add3A = arith.addi %mul3A_0, %arg0 : i32
    %mul3A_1 = arith.constant 102400 : i32
    %mul3A_2 = arith.muli %add3A, %mul3A_1 : i32
    %add3A_3 = arith.constant 0 : i32
    %add3A_4 = arith.addi %mul3A_2, %add3A_3 : i32
    %dma_start3A = tpu.memref_slice %arg2[%add3A_4] : memref<3276800xf32, #tpu.memory_space<hbm>> -> memref<6400xf32, #tpu.memory_space<hbm>>
    %dma_start3A_5 = tpu.memref_slice %arg2[%add3A_4] : memref<3276800xf32, #tpu.memory_space<hbm>> -> memref<6400xf32, #tpu.memory_space<hbm>>
    tpu.enqueue_dma source(%dma_start3A_5 : memref<6400xf32, #tpu.memory_space<hbm>>) target(%arg9 : memref<6400xf32, #tpu.memory_space<vmem>>) target_semaphore(%arg21 : memref<!tpu.dma_semaphore, #tpu.memory_space<semaphore_mem>>)
    %dma_start3A_6 = tpu.memref_slice %arg3[%add3A_4] : memref<3276800xi32, #tpu.memory_space<hbm>> -> memref<6400xi32, #tpu.memory_space<hbm>>
    %dma_start3A_7 = tpu.memref_slice %arg3[%add3A_4] : memref<3276800xi32, #tpu.memory_space<hbm>> -> memref<6400xi32, #tpu.memory_space<hbm>>
    tpu.enqueue_dma source(%dma_start3A_7 : memref<6400xi32, #tpu.memory_space<hbm>>) target(%arg13 : memref<6400xi32, #tpu.memory_space<vmem>>) target_semaphore(%arg21 : memref<!tpu.dma_semaphore, #tpu.memory_space<semaphore_mem>>)
    %add3A_8 = arith.constant 6400 : i32
    %add3A_9 = arith.addi %mul3A_2, %add3A_8 : i32
    %dma_start3A_10 = tpu.memref_slice %arg2[%add3A_9] : memref<3276800xf32, #tpu.memory_space<hbm>> -> memref<6400xf32, #tpu.memory_space<hbm>>
    %dma_start3A_11 = tpu.memref_slice %arg2[%add3A_9] : memref<3276800xf32, #tpu.memory_space<hbm>> -> memref<6400xf32, #tpu.memory_space<hbm>>
    tpu.enqueue_dma source(%dma_start3A_11 : memref<6400xf32, #tpu.memory_space<hbm>>) target(%arg10 : memref<6400xf32, #tpu.memory_space<vmem>>) target_semaphore(%arg22 : memref<!tpu.dma_semaphore, #tpu.memory_space<semaphore_mem>>)
    %dma_start3A_12 = tpu.memref_slice %arg3[%add3A_9] : memref<3276800xi32, #tpu.memory_space<hbm>> -> memref<6400xi32, #tpu.memory_space<hbm>>
    %dma_start3A_13 = tpu.memref_slice %arg3[%add3A_9] : memref<3276800xi32, #tpu.memory_space<hbm>> -> memref<6400xi32, #tpu.memory_space<hbm>>
    tpu.enqueue_dma source(%dma_start3A_13 : memref<6400xi32, #tpu.memory_space<hbm>>) target(%arg14 : memref<6400xi32, #tpu.memory_space<vmem>>) target_semaphore(%arg22 : memref<!tpu.dma_semaphore, #tpu.memory_space<semaphore_mem>>)
    %add3A_14 = arith.constant 12800 : i32
    %add3A_15 = arith.addi %mul3A_2, %add3A_14 : i32
    %dma_start3A_16 = tpu.memref_slice %arg2[%add3A_15] : memref<3276800xf32, #tpu.memory_space<hbm>> -> memref<6400xf32, #tpu.memory_space<hbm>>
    %dma_start3A_17 = tpu.memref_slice %arg2[%add3A_15] : memref<3276800xf32, #tpu.memory_space<hbm>> -> memref<6400xf32, #tpu.memory_space<hbm>>
    tpu.enqueue_dma source(%dma_start3A_17 : memref<6400xf32, #tpu.memory_space<hbm>>) target(%arg11 : memref<6400xf32, #tpu.memory_space<vmem>>) target_semaphore(%arg23 : memref<!tpu.dma_semaphore, #tpu.memory_space<semaphore_mem>>)
    %dma_start3A_18 = tpu.memref_slice %arg3[%add3A_15] : memref<3276800xi32, #tpu.memory_space<hbm>> -> memref<6400xi32, #tpu.memory_space<hbm>>
    %dma_start3A_19 = tpu.memref_slice %arg3[%add3A_15] : memref<3276800xi32, #tpu.memory_space<hbm>> -> memref<6400xi32, #tpu.memory_space<hbm>>
    tpu.enqueue_dma source(%dma_start3A_19 : memref<6400xi32, #tpu.memory_space<hbm>>) target(%arg15 : memref<6400xi32, #tpu.memory_space<vmem>>) target_semaphore(%arg23 : memref<!tpu.dma_semaphore, #tpu.memory_space<semaphore_mem>>)
    "tpu.region"() ({
      %run_scoped3A = tpu.sem_alloc : memref<!tpu.dma_semaphore, #tpu.memory_space<semaphore_mem>>
      tpu.enqueue_dma source(%arg4 : memref<16xf32, #tpu.memory_space<hbm>>) target(%arg7 : memref<16xf32, #tpu.memory_space<vmem>>) target_semaphore(%run_scoped3A : memref<!tpu.dma_semaphore, #tpu.memory_space<semaphore_mem>>)
      tpu.wait_dma2 semaphore(%run_scoped3A : memref<!tpu.dma_semaphore, #tpu.memory_space<semaphore_mem>>) src(%arg4 : memref<16xf32, #tpu.memory_space<hbm>>) dst(%arg7 : memref<16xf32, #tpu.memory_space<vmem>>)
      tpu.yield
    }) : () -> ()
    "tpu.region"() ({
      %run_scoped3A = tpu.sem_alloc : memref<!tpu.dma_semaphore, #tpu.memory_space<semaphore_mem>>
      tpu.enqueue_dma source(%arg5 : memref<16xf32, #tpu.memory_space<hbm>>) target(%arg8 : memref<16xf32, #tpu.memory_space<vmem>>) target_semaphore(%run_scoped3A : memref<!tpu.dma_semaphore, #tpu.memory_space<semaphore_mem>>)
      tpu.wait_dma2 semaphore(%run_scoped3A : memref<!tpu.dma_semaphore, #tpu.memory_space<semaphore_mem>>) src(%arg5 : memref<16xf32, #tpu.memory_space<hbm>>) dst(%arg8 : memref<16xf32, #tpu.memory_space<vmem>>)
      tpu.yield
    }) : () -> ()
    %get3A = arith.constant 0 : index
    %get3A_20 = tpu.vector_load %arg7[%get3A] {strides = array<i32>} : memref<16xf32, #tpu.memory_space<vmem>>, vector<16xf32>,
    %get3A_21 = arith.constant 0 : index
    %get3A_22 = tpu.vector_load %arg8[%get3A_21] {strides = array<i32>} : memref<16xf32, #tpu.memory_space<vmem>>, vector<16xf32>,
    %sub3A = arith.subf %get3A_22, %get3A_20 : vector<16xf32>
    %div3A = arith.constant 1.000000e+00 : f32
    %div3A_23 = vector.broadcast %div3A : f32 to vector<16xf32>
    %div3A_24 = arith.divf %div3A_23, %sub3A : vector<16xf32>
    %mul3A_25 = arith.mulf %get3A_20, %div3A_24 : vector<16xf32>
    %sub3A_26 = arith.constant 9.99999993E-9 : f32
    %sub3A_27 = vector.broadcast %sub3A_26 : f32 to vector<16xf32>
    %sub3A_28 = arith.subf %sub3A_27, %mul3A_25 : vector<16xf32>
    %scan3A = arith.constant 0 : i32
    %scan3A_29 = arith.constant 4 : i32
    %scan3A_30 = arith.addi %scan3A, %scan3A_29 : i32
    %scan3A_31 = arith.constant 1 : i32
    scf.for %scan3A_48 = %scan3A to %scan3A_30 step %scan3A_31  : i32 {
      %mul3A_49 = arith.constant 4 : i32
      %mul3A_50 = arith.muli %scan3A_48, %mul3A_49 : i32
      %add3A_51 = arith.constant 0 : i32
      %add3A_52 = arith.addi %add3A_51, %mul3A_50 : i32
      %add3A_53 = arith.constant 0 : i32
      %add3A_54 = arith.addi %add3A_52, %add3A_53 : i32
      %dma_wait3A_55 = arith.constant 0 : i32
      %dma_wait3A_56 = tpu.memref_slice %arg2[%dma_wait3A_55] : memref<3276800xf32, #tpu.memory_space<hbm>> -> memref<6400xf32, #tpu.memory_space<hbm>>
      %dma_wait3A_57 = arith.constant 0 : i32
      %dma_wait3A_58 = tpu.memref_slice %arg2[%dma_wait3A_57] : memref<3276800xf32, #tpu.memory_space<hbm>> -> memref<6400xf32, #tpu.memory_space<hbm>>
      tpu.wait_dma2 semaphore(%arg21 : memref<!tpu.dma_semaphore, #tpu.memory_space<semaphore_mem>>) src(%dma_wait3A_58 : memref<6400xf32, #tpu.memory_space<hbm>>) dst(%arg9 : memref<6400xf32, #tpu.memory_space<vmem>>)
      %dma_wait3A_59 = arith.constant 0 : i32
      %dma_wait3A_60 = tpu.memref_slice %arg3[%dma_wait3A_59] : memref<3276800xi32, #tpu.memory_space<hbm>> -> memref<6400xi32, #tpu.memory_space<hbm>>
      %dma_wait3A_61 = arith.constant 0 : i32
      %dma_wait3A_62 = tpu.memref_slice %arg3[%dma_wait3A_61] : memref<3276800xi32, #tpu.memory_space<hbm>> -> memref<6400xi32, #tpu.memory_space<hbm>>
      tpu.wait_dma2 semaphore(%arg21 : memref<!tpu.dma_semaphore, #tpu.memory_space<semaphore_mem>>) src(%dma_wait3A_62 : memref<6400xi32, #tpu.memory_space<hbm>>) dst(%arg13 : memref<6400xi32, #tpu.memory_space<vmem>>)
      %ge3A = arith.constant 4 : i32
      %ge3A_63 = arith.cmpi sge, %add3A_54, %ge3A : i32
      %convert_element_type3A = arith.extui %ge3A_63 : i1 to i32
      %cond3A = arith.constant 0 : i32
      %cond3A_64 = arith.cmpi ne, %convert_element_type3A, %cond3A : i32
      scf.if %cond3A_64 {
        %dma_wait3A_176 = arith.constant 0 : i32
        %dma_wait3A_177 = tpu.memref_slice %arg6[%dma_wait3A_176] : memref<3276800xf32, #tpu.memory_space<hbm>> -> memref<6400xf32, #tpu.memory_space<hbm>>
        %dma_wait3A_178 = arith.constant 0 : i32
        %dma_wait3A_179 = tpu.memref_slice %arg6[%dma_wait3A_178] : memref<3276800xf32, #tpu.memory_space<hbm>> -> memref<6400xf32, #tpu.memory_space<hbm>>
        tpu.wait_dma2 semaphore(%arg25 : memref<!tpu.dma_semaphore, #tpu.memory_space<semaphore_mem>>) src(%arg17 : memref<6400xf32, #tpu.memory_space<vmem>>) dst(%dma_wait3A_179 : memref<6400xf32, #tpu.memory_space<hbm>>)
      } else {
      }
      %parallel_loop3A = arith.constant 0 : i32
      %parallel_loop3A_65 = arith.constant 400 : i32
      %parallel_loop3A_66 = arith.constant 1 : i32
      scf.for %parallel_loop3A_176 = %parallel_loop3A to %parallel_loop3A_65 step %parallel_loop3A_66  : i32 {
        %parallel_loop3A_177 = arith.constant 16 : i32
        %parallel_loop3A_178 = arith.muli %parallel_loop3A_176, %parallel_loop3A_177 : i32
        %parallel_loop3A_179 = arith.index_cast %parallel_loop3A_178 : i32 to index
        %parallel_loop3A_180 = tpu.vector_load %arg13[%parallel_loop3A_179] {strides = array<i32>} : memref<6400xi32, #tpu.memory_space<vmem>>, vector<16xi32>,
        %parallel_loop3A_181 = arith.constant 1 : i32
        %parallel_loop3A_182 = vector.broadcast %parallel_loop3A_181 : i32 to vector<16xi32>
        %parallel_loop3A_183 = arith.subi %parallel_loop3A_180, %parallel_loop3A_182 : vector<16xi32>
        %parallel_loop3A_184 = vector.shape_cast %parallel_loop3A_183 : vector<16xi32> to vector<16x1xi32>
        %parallel_loop3A_185 = vector.shape_cast %parallel_loop3A_184 : vector<16x1xi32> to vector<16xi32>
        %parallel_loop3A_186 = tpu.dynamic_gather %div3A_24[%parallel_loop3A_185] in [0] : vector<16xf32>, vector<16xi32> -> vector<16xf32>
        %parallel_loop3A_187 = vector.shape_cast %parallel_loop3A_183 : vector<16xi32> to vector<16x1xi32>
        %parallel_loop3A_188 = vector.shape_cast %parallel_loop3A_187 : vector<16x1xi32> to vector<16xi32>
        %parallel_loop3A_189 = tpu.dynamic_gather %sub3A_28[%parallel_loop3A_188] in [0] : vector<16xf32>, vector<16xi32> -> vector<16xf32>
        %parallel_loop3A_190 = arith.index_cast %parallel_loop3A_178 : i32 to index
        %parallel_loop3A_191 = tpu.vector_load %arg9[%parallel_loop3A_190] {strides = array<i32>} : memref<6400xf32, #tpu.memory_space<vmem>>, vector<16xf32>,
        %parallel_loop3A_192 = arith.mulf %parallel_loop3A_191, %parallel_loop3A_186 : vector<16xf32>
        %parallel_loop3A_193 = arith.addf %parallel_loop3A_192, %parallel_loop3A_189 : vector<16xf32>
        %parallel_loop3A_194 = arith.index_cast %parallel_loop3A_178 : i32 to index
        %parallel_loop3A_195 = tpu.vector_load %arg17[%parallel_loop3A_194] {strides = array<i32>} : memref<6400xf32, #tpu.memory_space<vmem>>, vector<16xf32>,
        tpu.vector_store %arg17[%parallel_loop3A_194], %parallel_loop3A_193 {strides = array<i32>} : memref<6400xf32, #tpu.memory_space<vmem>>, vector<16xf32>,
      } {sc.loop_unroll_factor = 8 : i64, sc.parallel_access}
      %mul3A_67 = arith.constant 6400 : i32
      %mul3A_68 = arith.muli %add3A_54, %mul3A_67 : i32
      %add3A_69 = arith.addi %mul3A_2, %mul3A_68 : i32
      %dma_start3A_70 = tpu.memref_slice %arg6[%add3A_69] : memref<3276800xf32, #tpu.memory_space<hbm>> -> memref<6400xf32, #tpu.memory_space<hbm>>
      %dma_start3A_71 = tpu.memref_slice %arg6[%add3A_69] : memref<3276800xf32, #tpu.memory_space<hbm>> -> memref<6400xf32, #tpu.memory_space<hbm>>
      tpu.enqueue_dma source(%arg17 : memref<6400xf32, #tpu.memory_space<vmem>>) target(%dma_start3A_71 : memref<6400xf32, #tpu.memory_space<hbm>>) target_semaphore(%arg25 : memref<!tpu.dma_semaphore, #tpu.memory_space<semaphore_mem>>)
      %add3A_72 = arith.constant 4 : i32
      %add3A_73 = arith.addi %add3A_54, %add3A_72 : i32
      %sub3A_74 = arith.constant 1 : i32
      %sub3A_75 = arith.subi %add3A_73, %sub3A_74 : i32
      %lt3A = arith.constant 16 : i32
      %lt3A_76 = arith.cmpi slt, %sub3A_75, %lt3A : i32
      %convert_element_type3A_77 = arith.extui %lt3A_76 : i1 to i32
      %cond3A_78 = arith.constant 0 : i32
      %cond3A_79 = arith.cmpi ne, %convert_element_type3A_77, %cond3A_78 : i32
      scf.if %cond3A_79 {
        %add3A_176 = arith.constant 4 : i32
        %add3A_177 = arith.addi %add3A_54, %add3A_176 : i32
        %sub3A_178 = arith.constant 1 : i32
        %sub3A_179 = arith.subi %add3A_177, %sub3A_178 : i32
        %mul3A_180 = arith.constant 6400 : i32
        %mul3A_181 = arith.muli %sub3A_179, %mul3A_180 : i32
        %add3A_182 = arith.addi %mul3A_2, %mul3A_181 : i32
        %dma_start3A_183 = tpu.memref_slice %arg2[%add3A_182] : memref<3276800xf32, #tpu.memory_space<hbm>> -> memref<6400xf32, #tpu.memory_space<hbm>>
        %dma_start3A_184 = tpu.memref_slice %arg2[%add3A_182] : memref<3276800xf32, #tpu.memory_space<hbm>> -> memref<6400xf32, #tpu.memory_space<hbm>>
        tpu.enqueue_dma source(%dma_start3A_184 : memref<6400xf32, #tpu.memory_space<hbm>>) target(%arg12 : memref<6400xf32, #tpu.memory_space<vmem>>) target_semaphore(%arg24 : memref<!tpu.dma_semaphore, #tpu.memory_space<semaphore_mem>>)
        %dma_start3A_185 = tpu.memref_slice %arg3[%add3A_182] : memref<3276800xi32, #tpu.memory_space<hbm>> -> memref<6400xi32, #tpu.memory_space<hbm>>
        %dma_start3A_186 = tpu.memref_slice %arg3[%add3A_182] : memref<3276800xi32, #tpu.memory_space<hbm>> -> memref<6400xi32, #tpu.memory_space<hbm>>
        tpu.enqueue_dma source(%dma_start3A_186 : memref<6400xi32, #tpu.memory_space<hbm>>) target(%arg16 : memref<6400xi32, #tpu.memory_space<vmem>>) target_semaphore(%arg24 : memref<!tpu.dma_semaphore, #tpu.memory_space<semaphore_mem>>)
      } else {
      }
      %add3A_80 = arith.constant 1 : i32
      %add3A_81 = arith.addi %add3A_52, %add3A_80 : i32
      %dma_wait3A_82 = arith.constant 0 : i32
      %dma_wait3A_83 = tpu.memref_slice %arg2[%dma_wait3A_82] : memref<3276800xf32, #tpu.memory_space<hbm>> -> memref<6400xf32, #tpu.memory_space<hbm>>
      %dma_wait3A_84 = arith.constant 0 : i32
      %dma_wait3A_85 = tpu.memref_slice %arg2[%dma_wait3A_84] : memref<3276800xf32, #tpu.memory_space<hbm>> -> memref<6400xf32, #tpu.memory_space<hbm>>
      tpu.wait_dma2 semaphore(%arg22 : memref<!tpu.dma_semaphore, #tpu.memory_space<semaphore_mem>>) src(%dma_wait3A_85 : memref<6400xf32, #tpu.memory_space<hbm>>) dst(%arg10 : memref<6400xf32, #tpu.memory_space<vmem>>)
      %dma_wait3A_86 = arith.constant 0 : i32
      %dma_wait3A_87 = tpu.memref_slice %arg3[%dma_wait3A_86] : memref<3276800xi32, #tpu.memory_space<hbm>> -> memref<6400xi32, #tpu.memory_space<hbm>>
      %dma_wait3A_88 = arith.constant 0 : i32
      %dma_wait3A_89 = tpu.memref_slice %arg3[%dma_wait3A_88] : memref<3276800xi32, #tpu.memory_space<hbm>> -> memref<6400xi32, #tpu.memory_space<hbm>>
      tpu.wait_dma2 semaphore(%arg22 : memref<!tpu.dma_semaphore, #tpu.memory_space<semaphore_mem>>) src(%dma_wait3A_89 : memref<6400xi32, #tpu.memory_space<hbm>>) dst(%arg14 : memref<6400xi32, #tpu.memory_space<vmem>>)
      %ge3A_90 = arith.constant 4 : i32
      %ge3A_91 = arith.cmpi sge, %add3A_81, %ge3A_90 : i32
      %convert_element_type3A_92 = arith.extui %ge3A_91 : i1 to i32
      %cond3A_93 = arith.constant 0 : i32
      %cond3A_94 = arith.cmpi ne, %convert_element_type3A_92, %cond3A_93 : i32
      scf.if %cond3A_94 {
        %dma_wait3A_176 = arith.constant 0 : i32
        %dma_wait3A_177 = tpu.memref_slice %arg6[%dma_wait3A_176] : memref<3276800xf32, #tpu.memory_space<hbm>> -> memref<6400xf32, #tpu.memory_space<hbm>>
        %dma_wait3A_178 = arith.constant 0 : i32
        %dma_wait3A_179 = tpu.memref_slice %arg6[%dma_wait3A_178] : memref<3276800xf32, #tpu.memory_space<hbm>> -> memref<6400xf32, #tpu.memory_space<hbm>>
        tpu.wait_dma2 semaphore(%arg26 : memref<!tpu.dma_semaphore, #tpu.memory_space<semaphore_mem>>) src(%arg18 : memref<6400xf32, #tpu.memory_space<vmem>>) dst(%dma_wait3A_179 : memref<6400xf32, #tpu.memory_space<hbm>>)
      } else {
      }
      %parallel_loop3A_95 = arith.constant 0 : i32
      %parallel_loop3A_96 = arith.constant 400 : i32
      %parallel_loop3A_97 = arith.constant 1 : i32
      scf.for %parallel_loop3A_176 = %parallel_loop3A_95 to %parallel_loop3A_96 step %parallel_loop3A_97  : i32 {
        %parallel_loop3A_177 = arith.constant 16 : i32
        %parallel_loop3A_178 = arith.muli %parallel_loop3A_176, %parallel_loop3A_177 : i32
        %parallel_loop3A_179 = arith.index_cast %parallel_loop3A_178 : i32 to index
        %parallel_loop3A_180 = tpu.vector_load %arg14[%parallel_loop3A_179] {strides = array<i32>} : memref<6400xi32, #tpu.memory_space<vmem>>, vector<16xi32>,
        %parallel_loop3A_181 = arith.constant 1 : i32
        %parallel_loop3A_182 = vector.broadcast %parallel_loop3A_181 : i32 to vector<16xi32>
        %parallel_loop3A_183 = arith.subi %parallel_loop3A_180, %parallel_loop3A_182 : vector<16xi32>
        %parallel_loop3A_184 = vector.shape_cast %parallel_loop3A_183 : vector<16xi32> to vector<16x1xi32>
        %parallel_loop3A_185 = vector.shape_cast %parallel_loop3A_184 : vector<16x1xi32> to vector<16xi32>
        %parallel_loop3A_186 = tpu.dynamic_gather %div3A_24[%parallel_loop3A_185] in [0] : vector<16xf32>, vector<16xi32> -> vector<16xf32>
        %parallel_loop3A_187 = vector.shape_cast %parallel_loop3A_183 : vector<16xi32> to vector<16x1xi32>
        %parallel_loop3A_188 = vector.shape_cast %parallel_loop3A_187 : vector<16x1xi32> to vector<16xi32>
        %parallel_loop3A_189 = tpu.dynamic_gather %sub3A_28[%parallel_loop3A_188] in [0] : vector<16xf32>, vector<16xi32> -> vector<16xf32>
        %parallel_loop3A_190 = arith.index_cast %parallel_loop3A_178 : i32 to index
        %parallel_loop3A_191 = tpu.vector_load %arg10[%parallel_loop3A_190] {strides = array<i32>} : memref<6400xf32, #tpu.memory_space<vmem>>, vector<16xf32>,
        %parallel_loop3A_192 = arith.mulf %parallel_loop3A_191, %parallel_loop3A_186 : vector<16xf32>
        %parallel_loop3A_193 = arith.addf %parallel_loop3A_192, %parallel_loop3A_189 : vector<16xf32>
        %parallel_loop3A_194 = arith.index_cast %parallel_loop3A_178 : i32 to index
        %parallel_loop3A_195 = tpu.vector_load %arg18[%parallel_loop3A_194] {strides = array<i32>} : memref<6400xf32, #tpu.memory_space<vmem>>, vector<16xf32>,
        tpu.vector_store %arg18[%parallel_loop3A_194], %parallel_loop3A_193 {strides = array<i32>} : memref<6400xf32, #tpu.memory_space<vmem>>, vector<16xf32>,
      } {sc.loop_unroll_factor = 8 : i64, sc.parallel_access}
      %mul3A_98 = arith.constant 6400 : i32
      %mul3A_99 = arith.muli %add3A_81, %mul3A_98 : i32
      %add3A_100 = arith.addi %mul3A_2, %mul3A_99 : i32
      %dma_start3A_101 = tpu.memref_slice %arg6[%add3A_100] : memref<3276800xf32, #tpu.memory_space<hbm>> -> memref<6400xf32, #tpu.memory_space<hbm>>
      %dma_start3A_102 = tpu.memref_slice %arg6[%add3A_100] : memref<3276800xf32, #tpu.memory_space<hbm>> -> memref<6400xf32, #tpu.memory_space<hbm>>
      tpu.enqueue_dma source(%arg18 : memref<6400xf32, #tpu.memory_space<vmem>>) target(%dma_start3A_102 : memref<6400xf32, #tpu.memory_space<hbm>>) target_semaphore(%arg26 : memref<!tpu.dma_semaphore, #tpu.memory_space<semaphore_mem>>)
      %add3A_103 = arith.constant 4 : i32
      %add3A_104 = arith.addi %add3A_81, %add3A_103 : i32
      %sub3A_105 = arith.constant 1 : i32
      %sub3A_106 = arith.subi %add3A_104, %sub3A_105 : i32
      %lt3A_107 = arith.constant 16 : i32
      %lt3A_108 = arith.cmpi slt, %sub3A_106, %lt3A_107 : i32
      %convert_element_type3A_109 = arith.extui %lt3A_108 : i1 to i32
      %cond3A_110 = arith.constant 0 : i32
      %cond3A_111 = arith.cmpi ne, %convert_element_type3A_109, %cond3A_110 : i32
      scf.if %cond3A_111 {
        %add3A_176 = arith.constant 4 : i32
        %add3A_177 = arith.addi %add3A_81, %add3A_176 : i32
        %sub3A_178 = arith.constant 1 : i32
        %sub3A_179 = arith.subi %add3A_177, %sub3A_178 : i32
        %mul3A_180 = arith.constant 6400 : i32
        %mul3A_181 = arith.muli %sub3A_179, %mul3A_180 : i32
        %add3A_182 = arith.addi %mul3A_2, %mul3A_181 : i32
        %dma_start3A_183 = tpu.memref_slice %arg2[%add3A_182] : memref<3276800xf32, #tpu.memory_space<hbm>> -> memref<6400xf32, #tpu.memory_space<hbm>>
        %dma_start3A_184 = tpu.memref_slice %arg2[%add3A_182] : memref<3276800xf32, #tpu.memory_space<hbm>> -> memref<6400xf32, #tpu.memory_space<hbm>>
        tpu.enqueue_dma source(%dma_start3A_184 : memref<6400xf32, #tpu.memory_space<hbm>>) target(%arg9 : memref<6400xf32, #tpu.memory_space<vmem>>) target_semaphore(%arg21 : memref<!tpu.dma_semaphore, #tpu.memory_space<semaphore_mem>>)
        %dma_start3A_185 = tpu.memref_slice %arg3[%add3A_182] : memref<3276800xi32, #tpu.memory_space<hbm>> -> memref<6400xi32, #tpu.memory_space<hbm>>
        %dma_start3A_186 = tpu.memref_slice %arg3[%add3A_182] : memref<3276800xi32, #tpu.memory_space<hbm>> -> memref<6400xi32, #tpu.memory_space<hbm>>
        tpu.enqueue_dma source(%dma_start3A_186 : memref<6400xi32, #tpu.memory_space<hbm>>) target(%arg13 : memref<6400xi32, #tpu.memory_space<vmem>>) target_semaphore(%arg21 : memref<!tpu.dma_semaphore, #tpu.memory_space<semaphore_mem>>)
      } else {
      }
      %add3A_112 = arith.constant 2 : i32
      %add3A_113 = arith.addi %add3A_52, %add3A_112 : i32
      %dma_wait3A_114 = arith.constant 0 : i32
      %dma_wait3A_115 = tpu.memref_slice %arg2[%dma_wait3A_114] : memref<3276800xf32, #tpu.memory_space<hbm>> -> memref<6400xf32, #tpu.memory_space<hbm>>
      %dma_wait3A_116 = arith.constant 0 : i32
      %dma_wait3A_117 = tpu.memref_slice %arg2[%dma_wait3A_116] : memref<3276800xf32, #tpu.memory_space<hbm>> -> memref<6400xf32, #tpu.memory_space<hbm>>
      tpu.wait_dma2 semaphore(%arg23 : memref<!tpu.dma_semaphore, #tpu.memory_space<semaphore_mem>>) src(%dma_wait3A_117 : memref<6400xf32, #tpu.memory_space<hbm>>) dst(%arg11 : memref<6400xf32, #tpu.memory_space<vmem>>)
      %dma_wait3A_118 = arith.constant 0 : i32
      %dma_wait3A_119 = tpu.memref_slice %arg3[%dma_wait3A_118] : memref<3276800xi32, #tpu.memory_space<hbm>> -> memref<6400xi32, #tpu.memory_space<hbm>>
      %dma_wait3A_120 = arith.constant 0 : i32
      %dma_wait3A_121 = tpu.memref_slice %arg3[%dma_wait3A_120] : memref<3276800xi32, #tpu.memory_space<hbm>> -> memref<6400xi32, #tpu.memory_space<hbm>>
      tpu.wait_dma2 semaphore(%arg23 : memref<!tpu.dma_semaphore, #tpu.memory_space<semaphore_mem>>) src(%dma_wait3A_121 : memref<6400xi32, #tpu.memory_space<hbm>>) dst(%arg15 : memref<6400xi32, #tpu.memory_space<vmem>>)
      %ge3A_122 = arith.constant 4 : i32
      %ge3A_123 = arith.cmpi sge, %add3A_113, %ge3A_122 : i32
      %convert_element_type3A_124 = arith.extui %ge3A_123 : i1 to i32
      %cond3A_125 = arith.constant 0 : i32
      %cond3A_126 = arith.cmpi ne, %convert_element_type3A_124, %cond3A_125 : i32
      scf.if %cond3A_126 {
        %dma_wait3A_176 = arith.constant 0 : i32
        %dma_wait3A_177 = tpu.memref_slice %arg6[%dma_wait3A_176] : memref<3276800xf32, #tpu.memory_space<hbm>> -> memref<6400xf32, #tpu.memory_space<hbm>>
        %dma_wait3A_178 = arith.constant 0 : i32
        %dma_wait3A_179 = tpu.memref_slice %arg6[%dma_wait3A_178] : memref<3276800xf32, #tpu.memory_space<hbm>> -> memref<6400xf32, #tpu.memory_space<hbm>>
        tpu.wait_dma2 semaphore(%arg27 : memref<!tpu.dma_semaphore, #tpu.memory_space<semaphore_mem>>) src(%arg19 : memref<6400xf32, #tpu.memory_space<vmem>>) dst(%dma_wait3A_179 : memref<6400xf32, #tpu.memory_space<hbm>>)
      } else {
      }
      %parallel_loop3A_127 = arith.constant 0 : i32
      %parallel_loop3A_128 = arith.constant 400 : i32
      %parallel_loop3A_129 = arith.constant 1 : i32
      scf.for %parallel_loop3A_176 = %parallel_loop3A_127 to %parallel_loop3A_128 step %parallel_loop3A_129  : i32 {
        %parallel_loop3A_177 = arith.constant 16 : i32
        %parallel_loop3A_178 = arith.muli %parallel_loop3A_176, %parallel_loop3A_177 : i32
        %parallel_loop3A_179 = arith.index_cast %parallel_loop3A_178 : i32 to index
        %parallel_loop3A_180 = tpu.vector_load %arg15[%parallel_loop3A_179] {strides = array<i32>} : memref<6400xi32, #tpu.memory_space<vmem>>, vector<16xi32>,
        %parallel_loop3A_181 = arith.constant 1 : i32
        %parallel_loop3A_182 = vector.broadcast %parallel_loop3A_181 : i32 to vector<16xi32>
        %parallel_loop3A_183 = arith.subi %parallel_loop3A_180, %parallel_loop3A_182 : vector<16xi32>
        %parallel_loop3A_184 = vector.shape_cast %parallel_loop3A_183 : vector<16xi32> to vector<16x1xi32>
        %parallel_loop3A_185 = vector.shape_cast %parallel_loop3A_184 : vector<16x1xi32> to vector<16xi32>
        %parallel_loop3A_186 = tpu.dynamic_gather %div3A_24[%parallel_loop3A_185] in [0] : vector<16xf32>, vector<16xi32> -> vector<16xf32>
        %parallel_loop3A_187 = vector.shape_cast %parallel_loop3A_183 : vector<16xi32> to vector<16x1xi32>
        %parallel_loop3A_188 = vector.shape_cast %parallel_loop3A_187 : vector<16x1xi32> to vector<16xi32>
        %parallel_loop3A_189 = tpu.dynamic_gather %sub3A_28[%parallel_loop3A_188] in [0] : vector<16xf32>, vector<16xi32> -> vector<16xf32>
        %parallel_loop3A_190 = arith.index_cast %parallel_loop3A_178 : i32 to index
        %parallel_loop3A_191 = tpu.vector_load %arg11[%parallel_loop3A_190] {strides = array<i32>} : memref<6400xf32, #tpu.memory_space<vmem>>, vector<16xf32>,
        %parallel_loop3A_192 = arith.mulf %parallel_loop3A_191, %parallel_loop3A_186 : vector<16xf32>
        %parallel_loop3A_193 = arith.addf %parallel_loop3A_192, %parallel_loop3A_189 : vector<16xf32>
        %parallel_loop3A_194 = arith.index_cast %parallel_loop3A_178 : i32 to index
        %parallel_loop3A_195 = tpu.vector_load %arg19[%parallel_loop3A_194] {strides = array<i32>} : memref<6400xf32, #tpu.memory_space<vmem>>, vector<16xf32>,
        tpu.vector_store %arg19[%parallel_loop3A_194], %parallel_loop3A_193 {strides = array<i32>} : memref<6400xf32, #tpu.memory_space<vmem>>, vector<16xf32>,
      } {sc.loop_unroll_factor = 8 : i64, sc.parallel_access}
      %mul3A_130 = arith.constant 6400 : i32
      %mul3A_131 = arith.muli %add3A_113, %mul3A_130 : i32
      %add3A_132 = arith.addi %mul3A_2, %mul3A_131 : i32
      %dma_start3A_133 = tpu.memref_slice %arg6[%add3A_132] : memref<3276800xf32, #tpu.memory_space<hbm>> -> memref<6400xf32, #tpu.memory_space<hbm>>
      %dma_start3A_134 = tpu.memref_slice %arg6[%add3A_132] : memref<3276800xf32, #tpu.memory_space<hbm>> -> memref<6400xf32, #tpu.memory_space<hbm>>
      tpu.enqueue_dma source(%arg19 : memref<6400xf32, #tpu.memory_space<vmem>>) target(%dma_start3A_134 : memref<6400xf32, #tpu.memory_space<hbm>>) target_semaphore(%arg27 : memref<!tpu.dma_semaphore, #tpu.memory_space<semaphore_mem>>)
      %add3A_135 = arith.constant 4 : i32
      %add3A_136 = arith.addi %add3A_113, %add3A_135 : i32
      %sub3A_137 = arith.constant 1 : i32
      %sub3A_138 = arith.subi %add3A_136, %sub3A_137 : i32
      %lt3A_139 = arith.constant 16 : i32
      %lt3A_140 = arith.cmpi slt, %sub3A_138, %lt3A_139 : i32
      %convert_element_type3A_141 = arith.extui %lt3A_140 : i1 to i32
      %cond3A_142 = arith.constant 0 : i32
      %cond3A_143 = arith.cmpi ne, %convert_element_type3A_141, %cond3A_142 : i32
      scf.if %cond3A_143 {
        %add3A_176 = arith.constant 4 : i32
        %add3A_177 = arith.addi %add3A_113, %add3A_176 : i32
        %sub3A_178 = arith.constant 1 : i32
        %sub3A_179 = arith.subi %add3A_177, %sub3A_178 : i32
        %mul3A_180 = arith.constant 6400 : i32
        %mul3A_181 = arith.muli %sub3A_179, %mul3A_180 : i32
        %add3A_182 = arith.addi %mul3A_2, %mul3A_181 : i32
        %dma_start3A_183 = tpu.memref_slice %arg2[%add3A_182] : memref<3276800xf32, #tpu.memory_space<hbm>> -> memref<6400xf32, #tpu.memory_space<hbm>>
        %dma_start3A_184 = tpu.memref_slice %arg2[%add3A_182] : memref<3276800xf32, #tpu.memory_space<hbm>> -> memref<6400xf32, #tpu.memory_space<hbm>>
        tpu.enqueue_dma source(%dma_start3A_184 : memref<6400xf32, #tpu.memory_space<hbm>>) target(%arg10 : memref<6400xf32, #tpu.memory_space<vmem>>) target_semaphore(%arg22 : memref<!tpu.dma_semaphore, #tpu.memory_space<semaphore_mem>>)
        %dma_start3A_185 = tpu.memref_slice %arg3[%add3A_182] : memref<3276800xi32, #tpu.memory_space<hbm>> -> memref<6400xi32, #tpu.memory_space<hbm>>
        %dma_start3A_186 = tpu.memref_slice %arg3[%add3A_182] : memref<3276800xi32, #tpu.memory_space<hbm>> -> memref<6400xi32, #tpu.memory_space<hbm>>
        tpu.enqueue_dma source(%dma_start3A_186 : memref<6400xi32, #tpu.memory_space<hbm>>) target(%arg14 : memref<6400xi32, #tpu.memory_space<vmem>>) target_semaphore(%arg22 : memref<!tpu.dma_semaphore, #tpu.memory_space<semaphore_mem>>)
      } else {
      }
      %add3A_144 = arith.constant 3 : i32
      %add3A_145 = arith.addi %add3A_52, %add3A_144 : i32
      %dma_wait3A_146 = arith.constant 0 : i32
      %dma_wait3A_147 = tpu.memref_slice %arg2[%dma_wait3A_146] : memref<3276800xf32, #tpu.memory_space<hbm>> -> memref<6400xf32, #tpu.memory_space<hbm>>
      %dma_wait3A_148 = arith.constant 0 : i32
      %dma_wait3A_149 = tpu.memref_slice %arg2[%dma_wait3A_148] : memref<3276800xf32, #tpu.memory_space<hbm>> -> memref<6400xf32, #tpu.memory_space<hbm>>
      tpu.wait_dma2 semaphore(%arg24 : memref<!tpu.dma_semaphore, #tpu.memory_space<semaphore_mem>>) src(%dma_wait3A_149 : memref<6400xf32, #tpu.memory_space<hbm>>) dst(%arg12 : memref<6400xf32, #tpu.memory_space<vmem>>)
      %dma_wait3A_150 = arith.constant 0 : i32
      %dma_wait3A_151 = tpu.memref_slice %arg3[%dma_wait3A_150] : memref<3276800xi32, #tpu.memory_space<hbm>> -> memref<6400xi32, #tpu.memory_space<hbm>>
      %dma_wait3A_152 = arith.constant 0 : i32
      %dma_wait3A_153 = tpu.memref_slice %arg3[%dma_wait3A_152] : memref<3276800xi32, #tpu.memory_space<hbm>> -> memref<6400xi32, #tpu.memory_space<hbm>>
      tpu.wait_dma2 semaphore(%arg24 : memref<!tpu.dma_semaphore, #tpu.memory_space<semaphore_mem>>) src(%dma_wait3A_153 : memref<6400xi32, #tpu.memory_space<hbm>>) dst(%arg16 : memref<6400xi32, #tpu.memory_space<vmem>>)
      %ge3A_154 = arith.constant 4 : i32
      %ge3A_155 = arith.cmpi sge, %add3A_145, %ge3A_154 : i32
      %convert_element_type3A_156 = arith.extui %ge3A_155 : i1 to i32
      %cond3A_157 = arith.constant 0 : i32
      %cond3A_158 = arith.cmpi ne, %convert_element_type3A_156, %cond3A_157 : i32
      scf.if %cond3A_158 {
        %dma_wait3A_176 = arith.constant 0 : i32
        %dma_wait3A_177 = tpu.memref_slice %arg6[%dma_wait3A_176] : memref<3276800xf32, #tpu.memory_space<hbm>> -> memref<6400xf32, #tpu.memory_space<hbm>>
        %dma_wait3A_178 = arith.constant 0 : i32
        %dma_wait3A_179 = tpu.memref_slice %arg6[%dma_wait3A_178] : memref<3276800xf32, #tpu.memory_space<hbm>> -> memref<6400xf32, #tpu.memory_space<hbm>>
        tpu.wait_dma2 semaphore(%arg28 : memref<!tpu.dma_semaphore, #tpu.memory_space<semaphore_mem>>) src(%arg20 : memref<6400xf32, #tpu.memory_space<vmem>>) dst(%dma_wait3A_179 : memref<6400xf32, #tpu.memory_space<hbm>>)
      } else {
      }
      %parallel_loop3A_159 = arith.constant 0 : i32
      %parallel_loop3A_160 = arith.constant 400 : i32
      %parallel_loop3A_161 = arith.constant 1 : i32
      scf.for %parallel_loop3A_176 = %parallel_loop3A_159 to %parallel_loop3A_160 step %parallel_loop3A_161  : i32 {
        %parallel_loop3A_177 = arith.constant 16 : i32
        %parallel_loop3A_178 = arith.muli %parallel_loop3A_176, %parallel_loop3A_177 : i32
        %parallel_loop3A_179 = arith.index_cast %parallel_loop3A_178 : i32 to index
        %parallel_loop3A_180 = tpu.vector_load %arg16[%parallel_loop3A_179] {strides = array<i32>} : memref<6400xi32, #tpu.memory_space<vmem>>, vector<16xi32>,
        %parallel_loop3A_181 = arith.constant 1 : i32
        %parallel_loop3A_182 = vector.broadcast %parallel_loop3A_181 : i32 to vector<16xi32>
        %parallel_loop3A_183 = arith.subi %parallel_loop3A_180, %parallel_loop3A_182 : vector<16xi32>
        %parallel_loop3A_184 = vector.shape_cast %parallel_loop3A_183 : vector<16xi32> to vector<16x1xi32>
        %parallel_loop3A_185 = vector.shape_cast %parallel_loop3A_184 : vector<16x1xi32> to vector<16xi32>
        %parallel_loop3A_186 = tpu.dynamic_gather %div3A_24[%parallel_loop3A_185] in [0] : vector<16xf32>, vector<16xi32> -> vector<16xf32>
        %parallel_loop3A_187 = vector.shape_cast %parallel_loop3A_183 : vector<16xi32> to vector<16x1xi32>
        %parallel_loop3A_188 = vector.shape_cast %parallel_loop3A_187 : vector<16x1xi32> to vector<16xi32>
        %parallel_loop3A_189 = tpu.dynamic_gather %sub3A_28[%parallel_loop3A_188] in [0] : vector<16xf32>, vector<16xi32> -> vector<16xf32>
        %parallel_loop3A_190 = arith.index_cast %parallel_loop3A_178 : i32 to index
        %parallel_loop3A_191 = tpu.vector_load %arg12[%parallel_loop3A_190] {strides = array<i32>} : memref<6400xf32, #tpu.memory_space<vmem>>, vector<16xf32>,
        %parallel_loop3A_192 = arith.mulf %parallel_loop3A_191, %parallel_loop3A_186 : vector<16xf32>
        %parallel_loop3A_193 = arith.addf %parallel_loop3A_192, %parallel_loop3A_189 : vector<16xf32>
        %parallel_loop3A_194 = arith.index_cast %parallel_loop3A_178 : i32 to index
        %parallel_loop3A_195 = tpu.vector_load %arg20[%parallel_loop3A_194] {strides = array<i32>} : memref<6400xf32, #tpu.memory_space<vmem>>, vector<16xf32>,
        tpu.vector_store %arg20[%parallel_loop3A_194], %parallel_loop3A_193 {strides = array<i32>} : memref<6400xf32, #tpu.memory_space<vmem>>, vector<16xf32>,
      } {sc.loop_unroll_factor = 8 : i64, sc.parallel_access}
      %mul3A_162 = arith.constant 6400 : i32
      %mul3A_163 = arith.muli %add3A_145, %mul3A_162 : i32
      %add3A_164 = arith.addi %mul3A_2, %mul3A_163 : i32
      %dma_start3A_165 = tpu.memref_slice %arg6[%add3A_164] : memref<3276800xf32, #tpu.memory_space<hbm>> -> memref<6400xf32, #tpu.memory_space<hbm>>
      %dma_start3A_166 = tpu.memref_slice %arg6[%add3A_164] : memref<3276800xf32, #tpu.memory_space<hbm>> -> memref<6400xf32, #tpu.memory_space<hbm>>
      tpu.enqueue_dma source(%arg20 : memref<6400xf32, #tpu.memory_space<vmem>>) target(%dma_start3A_166 : memref<6400xf32, #tpu.memory_space<hbm>>) target_semaphore(%arg28 : memref<!tpu.dma_semaphore, #tpu.memory_space<semaphore_mem>>)
      %add3A_167 = arith.constant 4 : i32
      %add3A_168 = arith.addi %add3A_145, %add3A_167 : i32
      %sub3A_169 = arith.constant 1 : i32
      %sub3A_170 = arith.subi %add3A_168, %sub3A_169 : i32
      %lt3A_171 = arith.constant 16 : i32
      %lt3A_172 = arith.cmpi slt, %sub3A_170, %lt3A_171 : i32
      %convert_element_type3A_173 = arith.extui %lt3A_172 : i1 to i32
      %cond3A_174 = arith.constant 0 : i32
      %cond3A_175 = arith.cmpi ne, %convert_element_type3A_173, %cond3A_174 : i32
      scf.if %cond3A_175 {
        %add3A_176 = arith.constant 4 : i32
        %add3A_177 = arith.addi %add3A_145, %add3A_176 : i32
        %sub3A_178 = arith.constant 1 : i32
        %sub3A_179 = arith.subi %add3A_177, %sub3A_178 : i32
        %mul3A_180 = arith.constant 6400 : i32
        %mul3A_181 = arith.muli %sub3A_179, %mul3A_180 : i32
        %add3A_182 = arith.addi %mul3A_2, %mul3A_181 : i32
        %dma_start3A_183 = tpu.memref_slice %arg2[%add3A_182] : memref<3276800xf32, #tpu.memory_space<hbm>> -> memref<6400xf32, #tpu.memory_space<hbm>>
        %dma_start3A_184 = tpu.memref_slice %arg2[%add3A_182] : memref<3276800xf32, #tpu.memory_space<hbm>> -> memref<6400xf32, #tpu.memory_space<hbm>>
        tpu.enqueue_dma source(%dma_start3A_184 : memref<6400xf32, #tpu.memory_space<hbm>>) target(%arg11 : memref<6400xf32, #tpu.memory_space<vmem>>) target_semaphore(%arg23 : memref<!tpu.dma_semaphore, #tpu.memory_space<semaphore_mem>>)
        %dma_start3A_185 = tpu.memref_slice %arg3[%add3A_182] : memref<3276800xi32, #tpu.memory_space<hbm>> -> memref<6400xi32, #tpu.memory_space<hbm>>
        %dma_start3A_186 = tpu.memref_slice %arg3[%add3A_182] : memref<3276800xi32, #tpu.memory_space<hbm>> -> memref<6400xi32, #tpu.memory_space<hbm>>
        tpu.enqueue_dma source(%dma_start3A_186 : memref<6400xi32, #tpu.memory_space<hbm>>) target(%arg15 : memref<6400xi32, #tpu.memory_space<vmem>>) target_semaphore(%arg23 : memref<!tpu.dma_semaphore, #tpu.memory_space<semaphore_mem>>)
      } else {
      }
    }
    %scan3A_32 = arith.constant 4 : i32
    %dma_wait3A = arith.constant 0 : i32
    %dma_wait3A_33 = tpu.memref_slice %arg6[%dma_wait3A] : memref<3276800xf32, #tpu.memory_space<hbm>> -> memref<6400xf32, #tpu.memory_space<hbm>>
    %dma_wait3A_34 = arith.constant 0 : i32
    %dma_wait3A_35 = tpu.memref_slice %arg6[%dma_wait3A_34] : memref<3276800xf32, #tpu.memory_space<hbm>> -> memref<6400xf32, #tpu.memory_space<hbm>>
    tpu.wait_dma2 semaphore(%arg25 : memref<!tpu.dma_semaphore, #tpu.memory_space<semaphore_mem>>) src(%arg17 : memref<6400xf32, #tpu.memory_space<vmem>>) dst(%dma_wait3A_35 : memref<6400xf32, #tpu.memory_space<hbm>>)
    %dma_wait3A_36 = arith.constant 0 : i32
    %dma_wait3A_37 = tpu.memref_slice %arg6[%dma_wait3A_36] : memref<3276800xf32, #tpu.memory_space<hbm>> -> memref<6400xf32, #tpu.memory_space<hbm>>
    %dma_wait3A_38 = arith.constant 0 : i32
    %dma_wait3A_39 = tpu.memref_slice %arg6[%dma_wait3A_38] : memref<3276800xf32, #tpu.memory_space<hbm>> -> memref<6400xf32, #tpu.memory_space<hbm>>
    tpu.wait_dma2 semaphore(%arg26 : memref<!tpu.dma_semaphore, #tpu.memory_space<semaphore_mem>>) src(%arg18 : memref<6400xf32, #tpu.memory_space<vmem>>) dst(%dma_wait3A_39 : memref<6400xf32, #tpu.memory_space<hbm>>)
    %dma_wait3A_40 = arith.constant 0 : i32
    %dma_wait3A_41 = tpu.memref_slice %arg6[%dma_wait3A_40] : memref<3276800xf32, #tpu.memory_space<hbm>> -> memref<6400xf32, #tpu.memory_space<hbm>>
    %dma_wait3A_42 = arith.constant 0 : i32
    %dma_wait3A_43 = tpu.memref_slice %arg6[%dma_wait3A_42] : memref<3276800xf32, #tpu.memory_space<hbm>> -> memref<6400xf32, #tpu.memory_space<hbm>>
    tpu.wait_dma2 semaphore(%arg27 : memref<!tpu.dma_semaphore, #tpu.memory_space<semaphore_mem>>) src(%arg19 : memref<6400xf32, #tpu.memory_space<vmem>>) dst(%dma_wait3A_43 : memref<6400xf32, #tpu.memory_space<hbm>>)
    %dma_wait3A_44 = arith.constant 0 : i32
    %dma_wait3A_45 = tpu.memref_slice %arg6[%dma_wait3A_44] : memref<3276800xf32, #tpu.memory_space<hbm>> -> memref<6400xf32, #tpu.memory_space<hbm>>
    %dma_wait3A_46 = arith.constant 0 : i32
    %dma_wait3A_47 = tpu.memref_slice %arg6[%dma_wait3A_46] : memref<3276800xf32, #tpu.memory_space<hbm>> -> memref<6400xf32, #tpu.memory_space<hbm>>
    tpu.wait_dma2 semaphore(%arg28 : memref<!tpu.dma_semaphore, #tpu.memory_space<semaphore_mem>>) src(%arg20 : memref<6400xf32, #tpu.memory_space<vmem>>) dst(%dma_wait3A_47 : memref<6400xf32, #tpu.memory_space<hbm>>)
    return
  }
}

</mosaic_0001>

<sc_bundles>
// kernel: _run.3.cloned.1.call-start
scs
__scs_entry_jumppad:
0x0: {  	(pc) =	sbr.rel $0x88, $3  }
0x1: {  	(tag) =	ssettag $0x0;
	lr =	simm.s32 $0x1  }
0x2: {  	[smem:$0x3F9D] =	sst lr;
	_ =	strace $0xD0000000  }
0x3: {  	_ = 	snop  }
0x4: {  	_ = 	snop  }
0x5: {  	_ = 	snop  }
0x6: {  	_ = 	snop  }
0x7: {  	_ = 	snop  }
__scs_overlays_trampoline_lowered:
0x8: {  	[smem:$0x3FAC] =	sst s0  }
0x9: {  	[smem:$0x3FAD] =	sst s1  }
0xa: {  	[smem:$0x3FAE] =	sst s2  }
0xb: {  	[smem:$0x3FAF] =	sst s3  }
0xc: {  	[smem:$0x3FB0] =	sst s4  }
0xd: {  	[smem:$0x3FB1] =	sst s5  }
0xe: {  	[smem:$0x3FB2] =	sst s6  }
0xf: {  	[smem:$0x3FB3] =	sst s7  }
0x10: {  	[smem:$0x3FB4] =	sst s8  }
0x11: {  	[smem:$0x3FB5] =	sst s9;
	s0 =	simm.s32 @!p0 $0x0  }
0x12: {  	s1 =	sld [smem:$0x3F9B];
	s0 =	simm.s32 @p0 $0x1  }
0x13: {  	[smem:$0x3FB6] =	sst s0;
	s0 =	simm.s32 @!p1 $0x0  }
0x14: {  	s2 =	sld [smem:$0x3F9A];
	s0 =	simm.s32 @p1 $0x1  }
0x15: {  	[smem:$0x3FB7] =	sst s0;
	s0 =	simm.s32 @!p2 $0x0  }
0x16: {  	s3 =	sld [smem:$0x3FDB];
	s0 =	simm.s32 @p2 $0x1  }
0x17: {  	s4 =	simm.s32 $0x1BF5;
	[smem:$0x3FB9] =	sst s0  }
0x18: {  	s0 =	sld [smem:$0x3F9C];
	_ =	swait.ge [sflag:s4], $0x0  }
0x19: {  	s7 =	sld [smem:$0x3F9D]  }
0x1a: {  	s8 =	sadd.s32 $0xFFFFE003, lr  }
0x1b: {  	s9 =	sadd.s32 $0xFFFFFEF7, lr;
	s5 =	simm.s32 $0xFFFFFFFF;
	p2 =	slt.u32 s8, $0xFFFFF086  }
0x1c: {  	p1 =	slt.u32 s9, $0xF7A;
	s5 =	simm.s32 @!p2 $0x0  }
0x1d: {  	s5 =	simm.s32 @p1 $0x1;
	p0 =	seq.s32 s7, s2  }
0x1e: {  	s7 =	smul.u32 @!p0 $0xF7A, s2;
	p2 =	seq.s32 @!p0 s5, $0x0  }
0x1f: {  	s9 =	smul.u32 $0xF7A, s1;
	s8 =	simm.s32 @!p0 $0x1BF5;
	p2 =	por !p2, p0  }
0x20: {  	[sflag:s8] =	ssyncset.s32 @!p0 $0xFFFFF086;
	s6 =	sadd.s32 @!p0 s3, s7;
	s7 =	simm.s32 @!p0 $0x108  }
0x21: {  	s3 =	sadd.s32 s3, s9;
	s6 =	sadd.s32 @!p0 $0x88, s6;
	s7 =	simm.s32 @p2 $0x1082  }
0x22: {  	[simem:s7], [sflag:s8] =	dma.local @!p0 [hbm:s6], $0xF7A  }
0x23: {  	s9 =	sor.u32 $0xD0000000, s2;
	s6 =	simm.s32 $0x108;
	_ =	swait.ge @!p0 [sflag:s8], $0x0  }
0x24: {  	s3 =	sadd.s32 $0x88, s3;
	s6 =	simm.s32 @!p1 $0x1082;
	[sflag:s4] =	ssyncset.s32 $0xFFFFF086  }
0x25: {  	[simem:s6], [sflag:s4] =	dma.local [hbm:s3], $0xF7A  }
0x26: {  	[smem:$0x3F9D] =	sst s1;
	(tag) =	ssettag s2;
	_ =	strace s9  }
0x27: {  	s1 =	sld [smem:$0x3FAD]  }
0x28: {  	s2 =	sld [smem:$0x3FAE]  }
0x29: {  	s4 =	sld [smem:$0x3FB0]  }
0x2a: {  	p0 =	seq.s32 s5, $0x0;
	s5 =	sld [smem:$0x3FB1]  }
0x2b: {  	s6 =	sld [smem:$0x3FB2]  }
0x2c: {  	s7 =	sld [smem:$0x3FB3]  }
0x2d: {  	s3 =	simm.s32 $0x108;
	s8 =	sld [smem:$0x3FB4]  }
0x2e: {  	s3 =	simm.s32 @!p0 $0x1082;
	s9 =	sld [smem:$0x3FB5]  }
0x2f: {  	lr =	sadd.s32 s0, s3;
	s0 =	sld [smem:$0x3FAC]  }
0x30: {  	s3 =	sld [smem:$0x3FAF]  }
0x31: {  	[smem:$0x3FB8] =	sst s10  }
0x32: {  	s10 =	sld [smem:$0x3FB6];
	_ =	sdelay $0x3  }
0x33: {  	p0 =	seq.s32 s10, $0x1;
	s10 =	sld [smem:$0x3FB8];
	_ =	sdelay $0x3  }
0x34: {  	[smem:$0x3FB8] =	sst s10  }
0x35: {  	s10 =	sld [smem:$0x3FB7];
	_ =	sdelay $0x3  }
0x36: {  	p1 =	seq.s32 s10, $0x1;
	s10 =	sld [smem:$0x3FB8];
	_ =	sdelay $0x3  }
0x37: {  	[smem:$0x3FB8] =	sst s10  }
0x38: {  	s10 =	sld [smem:$0x3FB9]  }
0x39: {  	_ = 	snop;
	(pc) =	sbr.ind lr, $3  }
0x3a: {  	_ = 	snop  }
0x3b: {  	_ = 	snop  }
0x3c: {  	p2 =	seq.s32 s10, $0x1;
	s10 =	sld [smem:$0x3FB8]  }
0x3d: {  	_ =	shalt  }
0x3e: {  	_ =	shalt  }
0x3f: {  	_ =	shalt  }
0x40: {  	_ =	shalt  }
0x41: {  	_ =	shalt  }
0x42: {  	_ =	shalt  }
0x43: {  	_ =	shalt  }
0x44: {  	_ =	shalt  }
0x45: {  	_ =	shalt  }
0x46: {  	_ =	shalt  }
0x47: {  	_ =	shalt  }
0x48: {  	_ =	shalt  }
0x49: {  	_ =	shalt  }
0x4a: {  	_ =	shalt  }
0x4b: {  	_ =	shalt  }
0x4c: {  	_ =	shalt  }
0x4d: {  	_ =	shalt  }
0x4e: {  	_ =	shalt  }
0x4f: {  	_ =	shalt  }
0x50: {  	_ =	shalt  }
0x51: {  	_ =	shalt  }
0x52: {  	_ =	shalt  }
0x53: {  	_ =	shalt  }
0x54: {  	_ =	shalt  }
0x55: {  	_ =	shalt  }
0x56: {  	_ =	shalt  }
0x57: {  	_ =	shalt  }
0x58: {  	_ =	shalt  }
0x59: {  	_ =	shalt  }
0x5a: {  	_ =	shalt  }
0x5b: {  	_ =	shalt  }
0x5c: {  	_ =	shalt  }
0x5d: {  	_ =	shalt  }
0x5e: {  	_ =	shalt  }
0x5f: {  	_ =	shalt  }
0x60: {  	_ =	shalt  }
0x61: {  	_ =	shalt  }
0x62: {  	_ =	shalt  }
0x63: {  	_ =	shalt  }
0x64: {  	_ =	shalt  }
0x65: {  	_ =	shalt  }
0x66: {  	_ =	shalt  }
0x67: {  	_ =	shalt  }
0x68: {  	_ =	shalt  }
0x69: {  	_ =	shalt  }
0x6a: {  	_ =	shalt  }
0x6b: {  	_ =	shalt  }
0x6c: {  	_ =	shalt  }
0x6d: {  	_ =	shalt  }
0x6e: {  	_ =	shalt  }
0x6f: {  	_ =	shalt  }
0x70: {  	_ =	shalt  }
0x71: {  	_ =	shalt  }
0x72: {  	_ =	shalt  }
0x73: {  	_ =	shalt  }
0x74: {  	_ =	shalt  }
0x75: {  	_ =	shalt  }
0x76: {  	_ =	shalt  }
0x77: {  	_ =	shalt  }
0x78: {  	_ =	shalt  }
0x79: {  	_ =	shalt  }
0x7a: {  	_ =	shalt  }
0x7b: {  	_ =	shalt  }
0x7c: {  	_ =	shalt  }
0x7d: {  	_ =	shalt  }
0x7e: {  	_ =	shalt  }
0x7f: {  	_ =	shalt  }
0x80: {  	_ =	shalt  }
0x81: {  	_ =	shalt  }
0x82: {  	_ =	shalt  }
0x83: {  	_ =	shalt  }
0x84: {  	_ =	shalt  }
0x85: {  	_ =	shalt  }
0x86: {  	_ =	shalt  }
0x87: {  	_ =	shalt  }
.Lfunc_end0:
.L_simem_size_0:
called_computation_lowered:
.L_overlay_start_0:
0x88: {  	s2 =	sld [smem:$0x3FD9]  }
0x89: {  	s3 =	sld [smem:$0x3FFE];
	_ =	sdelay $0x1  }
0x8a: {  	s1 =	srdreg.scid  }
0x8b: {  	s0 =	sand.u32 $0x1, s1  }
0x8c: {  	s18 =	sshll.u32 s0, $0xA;
	s2 =	sadd.s32 s3, s2  }
0x8d: {  	s2 =	sadd.s32 s2, s18  }
0x8e: {  	[smem:$0x3FC4] =	sst s2  }
0x8f: {  	_ = 	snop  }
0x90: {  	s2 =	sld [smem:$0x3FC9]  }
0x91: {  	s19 =	sld [smem:$0x3FC8]  }
0x92: {  	s4 =	sld [smem:$0x3FC7]  }
0x93: {  	s5 =	sld [smem:$0x3FC6]  }
0x94: {  	s6 =	sld [smem:$0x3FD0];
	(tm) =	ssettm $0x1  }
0x95: {  	s7 =	sld [smem:$0x3FFB];
	_ =	sdelay $0x3  }
0x96: {  	_ =	strace s7  }
0x97: {  	s7 =	sld [smem:$0x3FFC];
	_ =	sdelay $0x3  }
0x98: {  	_ =	strace s7  }
0x99: {  	s7 =	sld [smem:$0x3FFD];
	_ =	sdelay $0x3  }
0x9a: {  	_ =	strace s7  }
0x9b: {  	_ =	strace $0x8FFFFFFF  }
0x9c: {  	s20 =	sld [smem:$0x3FDB];
	_ =	sdelay $0x1  }
0x9d: {  	s8 =	simm.s32 $_scs_section_size  }
0x9e: {  	s9 =	simm.s32 $_size__tile_overlayer_lowered;
	s10 =	simm.s32 $_tile_overlayer_lowered  }
0x9f: {  	s23 =	simm.s32 $0x1BFF;
	s22 =	sshll.u32 s10, $0x1;
	s7 =	sadd.s32 s8, s20  }
0xa0: {  	s11 =	simm.s32 $0x0;
	s21 =	sshll.u32 s9, $0x1;
	s9 =	sadd.s32 s22, s7  }
0xa1: {  	[timem:s11], [sflag:s23] =	dma.local [hbm:s9], s21  }
0xa2: {  	_ =	swait.ge [sflag:s23], s21  }
0xa3: {  	s8 =	ssub.s32 $0x0, s21;
	[sflag:s23] =	ssyncset.done $0x0  }
0xa4: {  	[sflag:s23] =	ssyncadd.s32 s8;
	_ =	sdelay $0x1  }
0xa5: {  	s24 =	simm.s32 $0x1B8B  }
0xa6: {  	_ =	swait.ge [sflag:s24], $0x1  }
0xa7: {  	[sflag:s24] =	ssyncset.done $0x0  }
0xa8: {  	s25 =	simm.s32 $0x1B8E;
	[sflag:s24] =	ssyncadd.s32 $0xFFFFFFFF  }
0xa9: {  	s26 =	simm.s32 $execute0_lowered;
	[smem:$0x3FD2] =	sst s25  }
0xaa: {  	s8 =	sshll.u32 s26, $0x1;
	_ =	strace $0x80000046;
	[dreg:$0x1] =	wrdreg $0xFFFFFFFF  }
0xab: {  	s28 =	simm.s32 $_size_execute0_lowered;
	s7 =	sadd.s32 s7, s8;
	[dreg:$0x0] =	wrdreg $0x0  }
0xac: {  	s8 =	sshll.u32 s28, $0x1;
	[dreg:$0x2] =	wrdreg s7  }
0xad: {  	[dreg:$0x3] =	wrdreg s8  }
0xae: {  	[dreg:$0x4] =	wrdreg $0xC0  }
0xaf: {  	_ =	task [dreg:s11], $0x5FFFF  }
0xb0: {  	[dreg:$0x1] =	wrdreg $0xFFFFFFFF  }
0xb1: {  	[dreg:$0x0] =	wrdreg $0x60  }
0xb2: {  	[dreg:$0x2] =	wrdreg s2  }
0xb3: {  	[dreg:$0x3] =	wrdreg s19  }
0xb4: {  	[dreg:$0x4] =	wrdreg s4  }
0xb5: {  	[dreg:$0x5] =	wrdreg s5  }
0xb6: {  	[dreg:$0x6] =	wrdreg s6  }
0xb7: {  	[dreg:$0x7] =	wrdreg $0x9  }
0xb8: {  	_ =	task.clear_ibuf [dreg:s11], $0x8FFFF;
	_ =	strace $0x90000046  }
0xb9: {  	s29 =	simm.s32 $0x9;
	_ =	strace $0x80000048  }
0xba: {  	_ =	swait.ge [sflag:s29], $0x1  }
0xbb: {  	[sflag:s29] =	ssyncadd.s32 $0xFFFFFFFF  }
0xbc: {  	_ =	strace $0x90000048  }
0xbd: {  	_ =	sfence  }
0xbe: {  	s30 =	sld [smem:$0x0];
	_ =	sdelay $0x2  }
0xbf: {  	s31 =	sshll.u32 s1, $0xD;
	s1 =	sshrl.u32 s1, $0x2  }
0xc0: {  	s3 =	sand.u32 $0x4000, s31;
	s1 =	sadd.s32 s1, s30  }
0xc1: {  	s0 =	sor.u32 s3, s0;
	s1 =	sshll.u32 s1, $0x11  }
0xc2: {  	s0 =	sor.u32 s1, s0  }
0xc3: {  	s0 =	sadd.s32 $0x8F2B, s0  }
0xc4: {  	[sflag:s0] =	ssyncadd.remote.s32 $0x1  }
0xc5: {  	_ =	sfence.sel $0xFFFF  }
0xc6: {  	[dreg:$0x0] =	wrdreg $0xFFFFFFFF;
	(pc) =	sbr.abs _section_cstart, $3  }
0xc7: {  	[dreg:$0x1] =	wrdreg $0xFFFFFFFF  }
0xc8: {  	_ =	task.clear_ibuf [dreg:s11], $0x2FFFF;
	_ =	strace $0x9FFFFFFF  }
0xc9: {  	(tm) =	ssettm $0x7FFFFFFF  }
tec
execute0_lowered:
.L_overlay_start_1:
0x0: {  	(tag) =	ssettag $0x1  }
0x1: {  	s1 =	rddreg [dreg:$0x0]  }
0x2: {  	s2 =	rddreg [dreg:$0x1]  }
0x3: {  	s0 =	srdreg.scid;
	s3 =	stileid.u32  }
0x4: {  	s6 =	rddreg [dreg:$0x4];
	s7 =	simm.s32 $0x0;
	s28 =	simm.s32 $0x9700  }
0x5: {  	s31 =	simm.s32 $0x1;
	s0 =	sand.u32 $0x1, s0;
	s3 =	sshll.u32 s3, $0x1  }
0x6: {  	s5 =	simm.s32 $0x2;
	s30 =	simm.s32 $0x11400;
	s3 =	sor.u32 s0, s3  }
0x7: {  	[smem:$0x7FF] =	sst s7;
	s0 =	ssub.s32 $0x2, s0;
	s8 =	smul.u32 $0x19000, s3  }
0x8: {  	s15 =	simm.s32 $0x0;
	_ =	strace $0x80000047;
	s21 =	sshrl.u32 s0, $0x1  }
0x9: {  	s0 =	ssub.s32 s0, s21;
	s4 =	sshrl.u32 s8, $0x3;
	s10 =	sadd.s32 $0x1900, s8  }
0xa: {  	s12 =	sadd.s32 $0x3200, s8;
	s17 =	sadd.s32 $0x4B00, s8;
	s18 =	sadd.s32 $0x6400, s8  }
0xb: {  	s19 =	sadd.s32 $0x7D00, s8;
	s20 =	sadd.s32 $0x9600, s8;
	s0 =	smax.u32 s0, $0x1  }
0xc: {  	s22 =	sadd.s32 s1, s4;
	s23 =	sadd.s32 s2, s4;
	[dreg:$0xc] =	wrdreg s0  }
0xd: {  	s24 =	sshrl.u32 s10, $0x3;
	s26 =	sshrl.u32 s12, $0x3;
	[dreg:$0x6] =	wrdreg s22  }
0xe: {  	s4 =	simm.s32 $0xC900;
	s0 =	simm.s32 $0x4C00;
	[dreg:$0x7] =	wrdreg s23  }
.Ltmp0:
0xf: {  	s25 =	sadd.s32 s1, s24;
	s3 =	sadd.s32 s2, s24;
	(pc) =	sbr.rel .LBB2_1-.Ltmp0, $4  }
0x10: {  	s29 =	sadd.s32 s1, s26;
	s22 =	simm.s32 $0xE200;
	[dreg:$0x8] =	wrdreg s25  }
0x11: {  	s23 =	simm.s32 $0x3;
	s24 =	simm.s32 $0xFB00;
	[dreg:$0x9] =	wrdreg s3  }
0x12: {  	[dreg:$0xa] =	wrdreg s29;
	s3 =	sadd.s32 s2, s26;
	s26 =	simm.s32 $0x3300  }
0x13: {  	s25 =	simm.s32 $0x4;
	[dreg:$0xb] =	wrdreg s3;
	s3 =	simm.s32 $0xB000  }
.LBB2_12:
0x14: {  	s9 =	simm.s32 $0x5  }
0x15: {  	_ =	swait.ge [sflag:s9], $0x1900  }
0x16: {  	[sflag:s9] =	ssyncset.done $0x0  }
0x17: {  	s16 =	simm.s32 $0x6;
	[sflag:s9] =	ssyncadd.s32 $0xFFFFE700  }
0x18: {  	_ =	swait.ge [sflag:s16], $0x1900  }
0x19: {  	[sflag:s16] =	ssyncset.done $0x0  }
0x1a: {  	s21 =	simm.s32 $0x7;
	[sflag:s16] =	ssyncadd.s32 $0xFFFFE700  }
0x1b: {  	_ =	swait.ge [sflag:s21], $0x1900  }
0x1c: {  	[sflag:s21] =	ssyncset.done $0x0  }
0x1d: {  	s11 =	simm.s32 $0x8;
	[sflag:s21] =	ssyncadd.s32 $0xFFFFE700  }
0x1e: {  	_ =	swait.ge [sflag:s11], $0x1900  }
0x1f: {  	s15 =	sadd.s32 $0x1, s15;
	s29 =	rddreg [dreg:$0xc]  }
0x20: {  	p0 =	sne.s32 s15, s29  }
.Ltmp1:
0x21: {  	_ = 	snop;
	(pc) =	sbr.rel @!p0 .LBB2_13-.Ltmp1, $3  }
0x22: {  	_ =	sdelay $0x1  }
0x23: {  	[sflag:s11] =	ssyncset.done $0x0  }
0x24: {  	[sflag:s11] =	ssyncadd.s32 $0xFFFFE700  }
.LBB2_1:
0x25: {  	s9 =	rddreg [dreg:$0x6];
	s11 =	simm.s32 $0x100  }
0x26: {  	[tilespmem:s11], [sflag:$0x1] =	stream.linear.gather [hbm4b:s9+s7], $0x1900, $0x38;
	[tilespmem:$0x12D00] =	vst v63  }
0x27: {  	s13 =	simm.s32 $0x6500;
	s11 =	rddreg [dreg:$0x7]  }
0x28: {  	[tilespmem:s13], [sflag:$0x1] =	stream.linear.gather [hbm4b:s11+s7], $0x1900, $0x38;
	[tilespmem:$0x12D00] =	vst v63  }
0x29: {  	s14 =	rddreg [dreg:$0x8];
	s16 =	simm.s32 $0x1A00  }
0x2a: {  	[tilespmem:s16], [sflag:$0x2] =	stream.linear.gather [hbm4b:s14+s7], $0x1900, $0x38;
	[tilespmem:$0x12D00] =	vst v63  }
0x2b: {  	s21 =	rddreg [dreg:$0x9];
	s29 =	simm.s32 $0x7E00  }
0x2c: {  	[tilespmem:s29], [sflag:$0x2] =	stream.linear.gather [hbm4b:s21+s7], $0x1900, $0x38;
	[tilespmem:$0x12D00] =	vst v63  }
0x2d: {  	s13 =	rddreg [dreg:$0xa]  }
0x2e: {  	[tilespmem:s26], [sflag:$0x3] =	stream.linear.gather [hbm4b:s13+s7], $0x1900, $0x38;
	[tilespmem:$0x12D00] =	vst v63  }
0x2f: {  	s14 =	rddreg [dreg:$0xb]  }
0x30: {  	[tilespmem:s28], [sflag:$0x3] =	stream.linear.gather [hbm4b:s14+s7], $0x1900, $0x38;
	[tilespmem:$0x12D00] =	vst v63  }
0x31: {  	s16 =	rddreg [dreg:$0x2];
	s21 =	simm.s32 $0x9  }
0x32: {  	[tilespmem:s7], [sflag:$0x9] =	stream.linear.gather [hbm4b:s16+s7], $0x80, $0x38;
	[tilespmem:$0x12D00] =	vst v63  }
0x33: {  	_ =	swait.ge [sflag:s21], $0x80  }
0x34: {  	[sflag:s21] =	ssyncset.done $0x0  }
0x35: {  	[sflag:s21] =	ssyncadd.s32 $0xFFFFFF80  }
0x36: {  	s13 =	simm.s32 $0x80;
	s29 =	rddreg [dreg:$0x3]  }
0x37: {  	[tilespmem:s13], [sflag:$0x9] =	stream.linear.gather [hbm4b:s29+s7], $0x80, $0x38;
	[tilespmem:$0x12D00] =	vst v63  }
0x38: {  	_ =	swait.ge [sflag:s21], $0x80  }
0x39: {  	[sflag:s21] =	ssyncset.done $0x0  }
0x3a: {  	[sflag:s21] =	ssyncadd.s32 $0xFFFFFF80  }
0x3b: {  	v1 =	vld [tilespmem:$0x0]  }
0x3c: {  	v0 =	vld [tilespmem:$0x80];
	_ =	sdelay $0x4  }
0x3d: {  	v0 =	vsub.f32 v0, v1;
	_ =	sdelay $0x1  }
0x3e: {  	(erf) = vrcp.f32 v0;
	_ =	sdelay $0x8  }
0x3f: {  	v0 =	vpop (erf)  }
0x40: {  	v1 =	vmul.f32 v0, v1;
	_ =	sdelay $0x1  }
0x41: {  	s16 =	simm.s32 $0x0;
	v1 =	vsub.f32 $9.999999930e-09, v1  }
.LBB2_2:
0x42: {  	_ =	swait.ge [sflag:s31], $0x1900  }
0x43: {  	[sflag:s31] =	ssyncset.done $0x0  }
0x44: {  	[sflag:s31] =	ssyncadd.s32 $0xFFFFE700  }
0x45: {  	_ =	swait.ge [sflag:s31], $0x1900  }
0x46: {  	p0 =	seq.s32 s16, $0x0;
	[sflag:s31] =	ssyncset.done $0x0  }
0x47: {  	s9 =	simm.s32 @!p0 $0x5;
	[sflag:s31] =	ssyncadd.s32 $0xFFFFE700  }
0x48: {  	_ =	swait.ge @!p0 [sflag:s9], $0x1900  }
0x49: {  	[sflag:s9] =	ssyncset.done @!p0 $0x0  }
0x4a: {  	s11 =	simm.s32 $0x6540;
	[sflag:s9] =	ssyncadd.s32 @!p0 $0xFFFFE700  }
0x4b: {  	v2 =	vld [tilespmem:s11+$0x30]  }
0x4c: {  	v3 =	vld [tilespmem:s11+$0xFFFFFFD0]  }
0x4d: {  	s9 =	simm.s32 $0x140;
	v4 =	vld [tilespmem:s11+$0xFFFFFFE0]  }
0x4e: {  	v5 =	vld [tilespmem:s9+$0x30]  }
0x4f: {  	v11 =	vld [tilespmem:s11+$0x10]  }
0x50: {  	v13 =	vld [tilespmem:s11+$0x20]  }
0x51: {  	v16 =	vld [tilespmem:s11+$0xFFFFFFC0]  }
0x52: {  	v6 =	vadd.s32 $0xFFFFFFFF, v2  }
0x53: {  	v8 =	vld [tilespmem:s11+$0xFFFFFFF0];
	v2 =	vadd.s32 $0xFFFFFFFF, v3;
	v4 =	vadd.s32 $0xFFFFFFFF, v4;
	v3 =	vperm.xlane v0, v6  }
0x54: {  	v10 =	vld [tilespmem:s11+$0x0];
	v17 =	vadd.s32 $0xFFFFFFFF, v11;
	v12 =	vperm.xlane v0, v2;
	v2 =	vperm.xlane v1, v2  }
0x55: {  	v22 =	vadd.s32 $0xFFFFFFFF, v13;
	v14 =	vperm.xlane v1, v6;
	v7 =	vperm.xlane v0, v4  }
0x56: {  	v18 =	vld [tilespmem:s9+$0xFFFFFFD0];
	v19 =	vadd.s32 $0xFFFFFFFF, v16;
	v11 =	vperm.xlane v0, v17;
	v5 =	vmul.f32 v5, v3  }
0x57: {  	v6 =	vld [tilespmem:s9+$0xFFFFFFC0];
	v13 =	vperm.xlane v0, v22;
	v20 =	vperm.xlane v0, v19  }
0x58: {  	v3 =	vperm.xlane v1, v4;
	v4 =	vadd.s32 $0xFFFFFFFF, v8;
	v21 =	vadd.f32 v5, v14;
	v14 =	vld [tilespmem:s9+$0xFFFFFFE0]  }
0x59: {  	v15 =	vld [tilespmem:s9+$0xFFFFFFF0];
	v19 =	vperm.xlane v1, v19;
	v8 =	vadd.s32 $0xFFFFFFFF, v10;
	v9 =	vperm.xlane v0, v4  }
0x5a: {  	v16 =	vld [tilespmem:s9+$0x0];
	v4 =	vperm.xlane v1, v4;
	v10 =	vperm.xlane v0, v8  }
0x5b: {  	s11 =	simm.s32 $0xC940;
	v5 =	vperm.xlane v1, v8;
	v8 =	vperm.xlane v1, v17;
	v17 =	vld [tilespmem:s9+$0x10]  }
0x5c: {  	s13 =	simm.s32 $0x0;
	s14 =	simm.s32 $0x65C0;
	[tilespmem:s11+$0x30] =	vst v21;
	v21 =	vmul.f32 v18, v12;
	v12 =	vperm.xlane v1, v22;
	v18 =	vld [tilespmem:s9+$0x20]  }
.LBB2_3:
0x5d: {  	v22 =	vld [tilespmem:s14+$0x30];
	s13 =	sadd.s32 $0x8, s13;
	v6 =	vmul.f32 v6, v20;
	v7 =	vmul.f32 v14, v7  }
0x5e: {  	v14 =	vld [tilespmem:s14+$0xFFFFFFD0];
	p1 =	slt.u32 s13, $0x188;
	v2 =	vadd.f32 v21, v2;
	v9 =	vmul.f32 v15, v9  }
0x5f: {  	s9 =	sadd.s32 $0x80, s9;
	v15 =	vld [tilespmem:s14+$0xFFFFFFE0];
	v6 =	vadd.f32 v6, v19;
	v3 =	vadd.f32 v7, v3;
	v7 =	vmul.f32 v16, v10  }
0x60: {  	v10 =	vld [tilespmem:s9+$0x30];
	[tilespmem:s11+$0xFFFFFFD0] =	vst v2;
	v2 =	vadd.f32 v9, v4;
	v4 =	vmul.f32 v17, v11  }
0x61: {  	v9 =	vld [tilespmem:s14+$0xFFFFFFF0];
	[tilespmem:s11+$0xFFFFFFC0] =	vst v6;
	v5 =	vadd.f32 v7, v5;
	v6 =	vmul.f32 v18, v13  }
0x62: {  	v11 =	vld [tilespmem:s14+$0x0];
	v7 =	vadd.s32 $0xFFFFFFFF, v22;
	[tilespmem:s11+$0xFFFFFFE0] =	vst v3;
	v3 =	vadd.f32 v4, v8  }
0x63: {  	v4 =	vadd.s32 $0xFFFFFFFF, v14;
	v8 =	vld [tilespmem:s14+$0x10];
	v13 =	vperm.xlane v0, v7;
	[tilespmem:s11+$0xFFFFFFF0] =	vst v2;
	v12 =	vadd.f32 v6, v12  }
0x64: {  	v18 =	vperm.xlane v0, v4;
	v2 =	vperm.xlane v1, v4;
	v4 =	vadd.s32 $0xFFFFFFFF, v15;
	v16 =	vld [tilespmem:s14+$0x20];
	[tilespmem:s11+$0x0] =	vst v5  }
0x65: {  	v5 =	vperm.xlane v1, v7;
	v17 =	vld [tilespmem:s14+$0xFFFFFFC0];
	v10 =	vmul.f32 v10, v13;
	[tilespmem:s11+$0x10] =	vst v3  }
0x66: {  	v7 =	vperm.xlane v0, v4;
	v3 =	vperm.xlane v1, v4;
	v6 =	vld [tilespmem:s9+$0xFFFFFFC0];
	v4 =	vadd.s32 $0xFFFFFFFF, v9;
	[tilespmem:s11+$0x20] =	vst v12  }
0x67: {  	v12 =	vld [tilespmem:s9+$0xFFFFFFD0];
	v9 =	vperm.xlane v0, v4;
	v11 =	vadd.s32 $0xFFFFFFFF, v11;
	v13 =	vadd.f32 v10, v5  }
.Ltmp2:
0x68: {  	s11 =	sadd.s32 $0x80, s11;
	v4 =	vperm.xlane v1, v4;
	v14 =	vld [tilespmem:s9+$0xFFFFFFE0];
	v10 =	vperm.xlane v0, v11;
	v8 =	vadd.s32 $0xFFFFFFFF, v8;
	(pc) =	sbr.rel @p1 .LBB2_3-.Ltmp2, $4  }
0x69: {  	v5 =	vperm.xlane v1, v11;
	v15 =	vld [tilespmem:s9+$0xFFFFFFF0];
	v11 =	vperm.xlane v0, v8;
	v22 =	vadd.s32 $0xFFFFFFFF, v16;
	[tilespmem:s11+$0x30] =	vst v13  }
0x6a: {  	v8 =	vperm.xlane v1, v8;
	v17 =	vadd.s32 $0xFFFFFFFF, v17;
	v16 =	vld [tilespmem:s9+$0x0];
	v13 =	vperm.xlane v0, v22  }
0x6b: {  	v20 =	vperm.xlane v0, v17;
	v19 =	vperm.xlane v1, v17;
	v17 =	vld [tilespmem:s9+$0x10]  }
0x6c: {  	s14 =	sadd.s32 $0x80, s14;
	v21 =	vmul.f32 v12, v18;
	v12 =	vperm.xlane v1, v22;
	v18 =	vld [tilespmem:s9+$0x20]  }
0x6d: {  	v6 =	vmul.f32 v6, v20  }
0x6e: {  	v7 =	vmul.f32 v14, v7;
	v2 =	vadd.f32 v21, v2  }
0x6f: {  	v9 =	vmul.f32 v15, v9;
	v6 =	vadd.f32 v6, v19  }
0x70: {  	v3 =	vadd.f32 v7, v3;
	v7 =	vmul.f32 v16, v10;
	[tilespmem:s11+$0xFFFFFFD0] =	vst v2  }
0x71: {  	v2 =	vadd.f32 v9, v4;
	v4 =	vmul.f32 v17, v11;
	[tilespmem:s11+$0xFFFFFFC0] =	vst v6  }
0x72: {  	s21 =	smul.u32 $0x6400, s16;
	v5 =	vadd.f32 v7, v5;
	v6 =	vmul.f32 v18, v13;
	[tilespmem:s11+$0xFFFFFFE0] =	vst v3  }
0x73: {  	v3 =	vadd.f32 v4, v8;
	[tilespmem:s11+$0xFFFFFFF0] =	vst v2  }
0x74: {  	s9 =	sadd.s32 s8, s21;
	v2 =	vadd.f32 v6, v12;
	[tilespmem:s11+$0x0] =	vst v5  }
0x75: {  	s9 =	sshrl.u32 s9, $0x3;
	[tilespmem:s11+$0x10] =	vst v3  }
0x76: {  	s9 =	sadd.s32 s6, s9;
	[tilespmem:s11+$0x20] =	vst v2;
	s11 =	sadd.s32 s21, s17  }
0x77: {  	[hbm4b:s9+s7] =	stream.linear.scatter [tilespmem:s4], [sflag:$0x5], $0x1900, $0x38;
	[tilespmem:$0x12D00] =	vst v63  }
0x78: {  	s9 =	sshrl.u32 s11, $0x3  }
0x79: {  	s13 =	sadd.s32 s1, s9  }
0x7a: {  	[tilespmem:s0], [sflag:$0x4] =	stream.linear.gather [hbm4b:s13+s7], $0x1900, $0x38;
	[tilespmem:$0x12D00] =	vst v63  }
0x7b: {  	s14 =	sadd.s32 s2, s9  }
0x7c: {  	[tilespmem:s3], [sflag:$0x4] =	stream.linear.gather [hbm4b:s14+s7], $0x1900, $0x38;
	[tilespmem:$0x12D00] =	vst v63  }
0x7d: {  	_ =	swait.ge [sflag:s5], $0x1900  }
0x7e: {  	[sflag:s5] =	ssyncset.done $0x0  }
0x7f: {  	[sflag:s5] =	ssyncadd.s32 $0xFFFFE700  }
0x80: {  	_ =	swait.ge [sflag:s5], $0x1900  }
0x81: {  	[sflag:s5] =	ssyncset.done $0x0  }
0x82: {  	s11 =	simm.s32 @!p0 $0x6;
	[sflag:s5] =	ssyncadd.s32 $0xFFFFE700  }
0x83: {  	_ =	swait.ge @!p0 [sflag:s11], $0x1900  }
0x84: {  	[sflag:s11] =	ssyncset.done @!p0 $0x0  }
0x85: {  	s13 =	simm.s32 $0x7E40;
	[sflag:s11] =	ssyncadd.s32 @!p0 $0xFFFFE700  }
0x86: {  	v2 =	vld [tilespmem:s13+$0x30]  }
0x87: {  	v3 =	vld [tilespmem:s13+$0xFFFFFFD0]  }
0x88: {  	s11 =	simm.s32 $0x1A40;
	v4 =	vld [tilespmem:s13+$0xFFFFFFE0]  }
0x89: {  	v5 =	vld [tilespmem:s11+$0x30]  }
0x8a: {  	v11 =	vld [tilespmem:s13+$0x10]  }
0x8b: {  	v12 =	vld [tilespmem:s13+$0x20]  }
0x8c: {  	v16 =	vld [tilespmem:s13+$0xFFFFFFC0]  }
0x8d: {  	v6 =	vadd.s32 $0xFFFFFFFF, v2  }
0x8e: {  	v8 =	vld [tilespmem:s13+$0xFFFFFFF0];
	v2 =	vadd.s32 $0xFFFFFFFF, v3;
	v4 =	vadd.s32 $0xFFFFFFFF, v4;
	v3 =	vperm.xlane v0, v6  }
0x8f: {  	v10 =	vld [tilespmem:s13+$0x0];
	v17 =	vadd.s32 $0xFFFFFFFF, v11;
	v13 =	vperm.xlane v0, v2;
	v2 =	vperm.xlane v1, v2  }
0x90: {  	v22 =	vadd.s32 $0xFFFFFFFF, v12;
	v14 =	vperm.xlane v1, v6;
	v7 =	vperm.xlane v0, v4  }
0x91: {  	v18 =	vld [tilespmem:s11+$0xFFFFFFD0];
	v19 =	vadd.s32 $0xFFFFFFFF, v16;
	v11 =	vperm.xlane v0, v17;
	v5 =	vmul.f32 v5, v3  }
0x92: {  	v6 =	vld [tilespmem:s11+$0xFFFFFFC0];
	v12 =	vperm.xlane v0, v22;
	v20 =	vperm.xlane v0, v19  }
0x93: {  	v3 =	vperm.xlane v1, v4;
	v4 =	vadd.s32 $0xFFFFFFFF, v8;
	v21 =	vadd.f32 v5, v14;
	v14 =	vld [tilespmem:s11+$0xFFFFFFE0]  }
0x94: {  	v15 =	vld [tilespmem:s11+$0xFFFFFFF0];
	v19 =	vperm.xlane v1, v19;
	v8 =	vadd.s32 $0xFFFFFFFF, v10;
	v9 =	vperm.xlane v0, v4  }
0x95: {  	v16 =	vld [tilespmem:s11+$0x0];
	v4 =	vperm.xlane v1, v4;
	v10 =	vperm.xlane v0, v8  }
0x96: {  	s13 =	simm.s32 $0xE240;
	v5 =	vperm.xlane v1, v8;
	v8 =	vperm.xlane v1, v17;
	v17 =	vld [tilespmem:s11+$0x10]  }
0x97: {  	s29 =	simm.s32 $0x7EC0;
	s14 =	simm.s32 $0x0;
	[tilespmem:s13+$0x30] =	vst v21;
	v21 =	vmul.f32 v18, v13;
	v13 =	vperm.xlane v1, v22;
	v18 =	vld [tilespmem:s11+$0x20]  }
.LBB2_5:
0x98: {  	v22 =	vld [tilespmem:s29+$0x30];
	s14 =	sadd.s32 $0x8, s14;
	v6 =	vmul.f32 v6, v20;
	v7 =	vmul.f32 v14, v7  }
0x99: {  	v14 =	vld [tilespmem:s29+$0xFFFFFFD0];
	p1 =	slt.u32 s14, $0x188;
	v2 =	vadd.f32 v21, v2;
	v9 =	vmul.f32 v15, v9  }
0x9a: {  	s11 =	sadd.s32 $0x80, s11;
	v15 =	vld [tilespmem:s29+$0xFFFFFFE0];
	v6 =	vadd.f32 v6, v19;
	v3 =	vadd.f32 v7, v3;
	v7 =	vmul.f32 v16, v10  }
0x9b: {  	v10 =	vld [tilespmem:s11+$0x30];
	[tilespmem:s13+$0xFFFFFFD0] =	vst v2;
	v2 =	vadd.f32 v9, v4;
	v4 =	vmul.f32 v17, v11  }
0x9c: {  	v9 =	vld [tilespmem:s29+$0xFFFFFFF0];
	[tilespmem:s13+$0xFFFFFFC0] =	vst v6;
	v5 =	vadd.f32 v7, v5;
	v6 =	vmul.f32 v18, v12  }
0x9d: {  	v11 =	vld [tilespmem:s29+$0x0];
	v7 =	vadd.s32 $0xFFFFFFFF, v22;
	[tilespmem:s13+$0xFFFFFFE0] =	vst v3;
	v3 =	vadd.f32 v4, v8  }
0x9e: {  	v4 =	vadd.s32 $0xFFFFFFFF, v14;
	v8 =	vld [tilespmem:s29+$0x10];
	v12 =	vperm.xlane v0, v7;
	[tilespmem:s13+$0xFFFFFFF0] =	vst v2;
	v13 =	vadd.f32 v6, v13  }
0x9f: {  	v18 =	vperm.xlane v0, v4;
	v2 =	vperm.xlane v1, v4;
	v4 =	vadd.s32 $0xFFFFFFFF, v15;
	v16 =	vld [tilespmem:s29+$0x20];
	[tilespmem:s13+$0x0] =	vst v5  }
0xa0: {  	v5 =	vperm.xlane v1, v7;
	v17 =	vld [tilespmem:s29+$0xFFFFFFC0];
	v10 =	vmul.f32 v10, v12;
	[tilespmem:s13+$0x10] =	vst v3  }
0xa1: {  	v7 =	vperm.xlane v0, v4;
	v3 =	vperm.xlane v1, v4;
	v6 =	vld [tilespmem:s11+$0xFFFFFFC0];
	v4 =	vadd.s32 $0xFFFFFFFF, v9;
	[tilespmem:s13+$0x20] =	vst v13  }
0xa2: {  	v13 =	vld [tilespmem:s11+$0xFFFFFFD0];
	v9 =	vperm.xlane v0, v4;
	v11 =	vadd.s32 $0xFFFFFFFF, v11;
	v12 =	vadd.f32 v10, v5  }
.Ltmp3:
0xa3: {  	s13 =	sadd.s32 $0x80, s13;
	v4 =	vperm.xlane v1, v4;
	v14 =	vld [tilespmem:s11+$0xFFFFFFE0];
	v10 =	vperm.xlane v0, v11;
	v8 =	vadd.s32 $0xFFFFFFFF, v8;
	(pc) =	sbr.rel @p1 .LBB2_5-.Ltmp3, $4  }
0xa4: {  	v5 =	vperm.xlane v1, v11;
	v15 =	vld [tilespmem:s11+$0xFFFFFFF0];
	v11 =	vperm.xlane v0, v8;
	v22 =	vadd.s32 $0xFFFFFFFF, v16;
	[tilespmem:s13+$0x30] =	vst v12  }
0xa5: {  	v8 =	vperm.xlane v1, v8;
	v17 =	vadd.s32 $0xFFFFFFFF, v17;
	v16 =	vld [tilespmem:s11+$0x0];
	v12 =	vperm.xlane v0, v22  }
0xa6: {  	v20 =	vperm.xlane v0, v17;
	v19 =	vperm.xlane v1, v17;
	v17 =	vld [tilespmem:s11+$0x10]  }
0xa7: {  	s29 =	sadd.s32 $0x80, s29;
	v21 =	vmul.f32 v13, v18;
	v13 =	vperm.xlane v1, v22;
	v18 =	vld [tilespmem:s11+$0x20]  }
0xa8: {  	v6 =	vmul.f32 v6, v20  }
0xa9: {  	v7 =	vmul.f32 v14, v7;
	v2 =	vadd.f32 v21, v2  }
0xaa: {  	v9 =	vmul.f32 v15, v9;
	v6 =	vadd.f32 v6, v19  }
0xab: {  	v3 =	vadd.f32 v7, v3;
	v7 =	vmul.f32 v16, v10;
	[tilespmem:s13+$0xFFFFFFD0] =	vst v2  }
0xac: {  	v2 =	vadd.f32 v9, v4;
	v4 =	vmul.f32 v17, v11;
	[tilespmem:s13+$0xFFFFFFC0] =	vst v6  }
0xad: {  	v5 =	vadd.f32 v7, v5;
	v6 =	vmul.f32 v18, v12;
	[tilespmem:s13+$0xFFFFFFE0] =	vst v3  }
0xae: {  	v3 =	vadd.f32 v4, v8;
	[tilespmem:s13+$0xFFFFFFF0] =	vst v2  }
0xaf: {  	s11 =	sadd.s32 s21, s10;
	v2 =	vadd.f32 v6, v13;
	[tilespmem:s13+$0x0] =	vst v5  }
0xb0: {  	s11 =	sshrl.u32 s11, $0x3;
	[tilespmem:s13+$0x10] =	vst v3  }
0xb1: {  	p1 =	seq.s32 s16, $0x3;
	s11 =	sadd.s32 s6, s11;
	[tilespmem:s13+$0x20] =	vst v2  }
0xb2: {  	[hbm4b:s11+s7] =	stream.linear.scatter [tilespmem:s22], [sflag:$0x6], $0x1900, $0x38;
	[tilespmem:$0x12D00] =	vst v63  }
0xb3: {  	s11 =	sadd.s32 @!p1 s21, s18  }
0xb4: {  	s11 =	sshrl.u32 @!p1 s11, $0x3  }
0xb5: {  	s14 =	simm.s32 @!p1 $0x0;
	s29 =	simm.s32 @!p1 $0x100;
	s13 =	sadd.s32 @!p1 s1, s11  }
0xb6: {  	[tilespmem:s29], [sflag:$0x1] =	stream.linear.gather @!p1 [hbm4b:s13+s14], $0x1900, $0x38;
	[tilespmem:$0x12D00] =	vst v63  }
0xb7: {  	s11 =	sadd.s32 @!p1 s2, s11;
	s13 =	simm.s32 @!p1 $0x6500  }
0xb8: {  	[tilespmem:s13], [sflag:$0x1] =	stream.linear.gather @!p1 [hbm4b:s11+s14], $0x1900, $0x38;
	[tilespmem:$0x12D00] =	vst v63  }
0xb9: {  	_ =	swait.ge [sflag:s23], $0x1900  }
0xba: {  	[sflag:s23] =	ssyncset.done $0x0  }
0xbb: {  	[sflag:s23] =	ssyncadd.s32 $0xFFFFE700  }
0xbc: {  	_ =	swait.ge [sflag:s23], $0x1900  }
0xbd: {  	[sflag:s23] =	ssyncset.done $0x0  }
0xbe: {  	s11 =	simm.s32 @!p0 $0x7;
	[sflag:s23] =	ssyncadd.s32 $0xFFFFE700  }
0xbf: {  	_ =	swait.ge @!p0 [sflag:s11], $0x1900  }
0xc0: {  	[sflag:s11] =	ssyncset.done @!p0 $0x0  }
0xc1: {  	s14 =	simm.s32 $0x9740;
	[sflag:s11] =	ssyncadd.s32 @!p0 $0xFFFFE700  }
0xc2: {  	v2 =	vld [tilespmem:s14+$0x30]  }
0xc3: {  	v3 =	vld [tilespmem:s14+$0xFFFFFFD0]  }
0xc4: {  	s11 =	simm.s32 $0x3340;
	v4 =	vld [tilespmem:s14+$0xFFFFFFE0]  }
0xc5: {  	v5 =	vld [tilespmem:s11+$0x30]  }
0xc6: {  	v11 =	vld [tilespmem:s14+$0x10]  }
0xc7: {  	v12 =	vld [tilespmem:s14+$0x20]  }
0xc8: {  	v16 =	vld [tilespmem:s14+$0xFFFFFFC0]  }
0xc9: {  	v6 =	vadd.s32 $0xFFFFFFFF, v2  }
0xca: {  	v8 =	vld [tilespmem:s14+$0xFFFFFFF0];
	v2 =	vadd.s32 $0xFFFFFFFF, v3;
	v4 =	vadd.s32 $0xFFFFFFFF, v4;
	v3 =	vperm.xlane v0, v6  }
0xcb: {  	v10 =	vld [tilespmem:s14+$0x0];
	v17 =	vadd.s32 $0xFFFFFFFF, v11;
	v13 =	vperm.xlane v0, v2;
	v2 =	vperm.xlane v1, v2  }
0xcc: {  	v22 =	vadd.s32 $0xFFFFFFFF, v12;
	v14 =	vperm.xlane v1, v6;
	v7 =	vperm.xlane v0, v4  }
0xcd: {  	v18 =	vld [tilespmem:s11+$0xFFFFFFD0];
	v19 =	vadd.s32 $0xFFFFFFFF, v16;
	v11 =	vperm.xlane v0, v17;
	v5 =	vmul.f32 v5, v3  }
0xce: {  	v6 =	vld [tilespmem:s11+$0xFFFFFFC0];
	v12 =	vperm.xlane v0, v22;
	v20 =	vperm.xlane v0, v19  }
0xcf: {  	v3 =	vperm.xlane v1, v4;
	v4 =	vadd.s32 $0xFFFFFFFF, v8;
	v21 =	vadd.f32 v5, v14;
	v14 =	vld [tilespmem:s11+$0xFFFFFFE0]  }
0xd0: {  	v15 =	vld [tilespmem:s11+$0xFFFFFFF0];
	v19 =	vperm.xlane v1, v19;
	v8 =	vadd.s32 $0xFFFFFFFF, v10;
	v9 =	vperm.xlane v0, v4  }
0xd1: {  	v16 =	vld [tilespmem:s11+$0x0];
	v4 =	vperm.xlane v1, v4;
	v10 =	vperm.xlane v0, v8  }
0xd2: {  	s13 =	simm.s32 $0xFB40;
	v5 =	vperm.xlane v1, v8;
	v8 =	vperm.xlane v1, v17;
	v17 =	vld [tilespmem:s11+$0x10]  }
0xd3: {  	s29 =	simm.s32 $0x97C0;
	s14 =	simm.s32 $0x0;
	[tilespmem:s13+$0x30] =	vst v21;
	v21 =	vmul.f32 v18, v13;
	v13 =	vperm.xlane v1, v22;
	v18 =	vld [tilespmem:s11+$0x20]  }
.LBB2_7:
0xd4: {  	v22 =	vld [tilespmem:s29+$0x30];
	s14 =	sadd.s32 $0x8, s14;
	v6 =	vmul.f32 v6, v20;
	v7 =	vmul.f32 v14, v7  }
0xd5: {  	v14 =	vld [tilespmem:s29+$0xFFFFFFD0];
	p2 =	slt.u32 s14, $0x188;
	v2 =	vadd.f32 v21, v2;
	v9 =	vmul.f32 v15, v9  }
0xd6: {  	s11 =	sadd.s32 $0x80, s11;
	v15 =	vld [tilespmem:s29+$0xFFFFFFE0];
	v6 =	vadd.f32 v6, v19;
	v3 =	vadd.f32 v7, v3;
	v7 =	vmul.f32 v16, v10  }
0xd7: {  	v10 =	vld [tilespmem:s11+$0x30];
	[tilespmem:s13+$0xFFFFFFD0] =	vst v2;
	v2 =	vadd.f32 v9, v4;
	v4 =	vmul.f32 v17, v11  }
0xd8: {  	v9 =	vld [tilespmem:s29+$0xFFFFFFF0];
	[tilespmem:s13+$0xFFFFFFC0] =	vst v6;
	v5 =	vadd.f32 v7, v5;
	v6 =	vmul.f32 v18, v12  }
0xd9: {  	v11 =	vld [tilespmem:s29+$0x0];
	v7 =	vadd.s32 $0xFFFFFFFF, v22;
	[tilespmem:s13+$0xFFFFFFE0] =	vst v3;
	v3 =	vadd.f32 v4, v8  }
0xda: {  	v4 =	vadd.s32 $0xFFFFFFFF, v14;
	v8 =	vld [tilespmem:s29+$0x10];
	v12 =	vperm.xlane v0, v7;
	[tilespmem:s13+$0xFFFFFFF0] =	vst v2;
	v13 =	vadd.f32 v6, v13  }
0xdb: {  	v18 =	vperm.xlane v0, v4;
	v2 =	vperm.xlane v1, v4;
	v4 =	vadd.s32 $0xFFFFFFFF, v15;
	v16 =	vld [tilespmem:s29+$0x20];
	[tilespmem:s13+$0x0] =	vst v5  }
0xdc: {  	v5 =	vperm.xlane v1, v7;
	v17 =	vld [tilespmem:s29+$0xFFFFFFC0];
	v10 =	vmul.f32 v10, v12;
	[tilespmem:s13+$0x10] =	vst v3  }
0xdd: {  	v7 =	vperm.xlane v0, v4;
	v3 =	vperm.xlane v1, v4;
	v6 =	vld [tilespmem:s11+$0xFFFFFFC0];
	v4 =	vadd.s32 $0xFFFFFFFF, v9;
	[tilespmem:s13+$0x20] =	vst v13  }
0xde: {  	v13 =	vld [tilespmem:s11+$0xFFFFFFD0];
	v9 =	vperm.xlane v0, v4;
	v11 =	vadd.s32 $0xFFFFFFFF, v11;
	v12 =	vadd.f32 v10, v5  }
.Ltmp4:
0xdf: {  	s13 =	sadd.s32 $0x80, s13;
	v4 =	vperm.xlane v1, v4;
	v14 =	vld [tilespmem:s11+$0xFFFFFFE0];
	v10 =	vperm.xlane v0, v11;
	v8 =	vadd.s32 $0xFFFFFFFF, v8;
	(pc) =	sbr.rel @p2 .LBB2_7-.Ltmp4, $4  }
0xe0: {  	v5 =	vperm.xlane v1, v11;
	v15 =	vld [tilespmem:s11+$0xFFFFFFF0];
	v11 =	vperm.xlane v0, v8;
	v22 =	vadd.s32 $0xFFFFFFFF, v16;
	[tilespmem:s13+$0x30] =	vst v12  }
0xe1: {  	v8 =	vperm.xlane v1, v8;
	v17 =	vadd.s32 $0xFFFFFFFF, v17;
	v16 =	vld [tilespmem:s11+$0x0];
	v12 =	vperm.xlane v0, v22  }
0xe2: {  	v20 =	vperm.xlane v0, v17;
	v19 =	vperm.xlane v1, v17;
	v17 =	vld [tilespmem:s11+$0x10]  }
0xe3: {  	s29 =	sadd.s32 $0x80, s29;
	v21 =	vmul.f32 v13, v18;
	v13 =	vperm.xlane v1, v22;
	v18 =	vld [tilespmem:s11+$0x20]  }
0xe4: {  	v6 =	vmul.f32 v6, v20  }
0xe5: {  	v7 =	vmul.f32 v14, v7;
	v2 =	vadd.f32 v21, v2  }
0xe6: {  	v9 =	vmul.f32 v15, v9;
	v6 =	vadd.f32 v6, v19  }
0xe7: {  	v3 =	vadd.f32 v7, v3;
	v7 =	vmul.f32 v16, v10;
	[tilespmem:s13+$0xFFFFFFD0] =	vst v2  }
0xe8: {  	v2 =	vadd.f32 v9, v4;
	v4 =	vmul.f32 v17, v11;
	[tilespmem:s13+$0xFFFFFFC0] =	vst v6  }
0xe9: {  	v5 =	vadd.f32 v7, v5;
	v6 =	vmul.f32 v18, v12;
	[tilespmem:s13+$0xFFFFFFE0] =	vst v3  }
0xea: {  	v3 =	vadd.f32 v4, v8;
	[tilespmem:s13+$0xFFFFFFF0] =	vst v2  }
0xeb: {  	s11 =	sadd.s32 s21, s12;
	v2 =	vadd.f32 v6, v13;
	[tilespmem:s13+$0x0] =	vst v5  }
0xec: {  	s11 =	sshrl.u32 s11, $0x3;
	[tilespmem:s13+$0x10] =	vst v3  }
0xed: {  	s11 =	sadd.s32 s6, s11;
	[tilespmem:s13+$0x20] =	vst v2  }
0xee: {  	[hbm4b:s11+s7] =	stream.linear.scatter [tilespmem:s24], [sflag:$0x7], $0x1900, $0x38;
	[tilespmem:$0x12D00] =	vst v63  }
0xef: {  	s11 =	sadd.s32 @!p1 s21, s19  }
0xf0: {  	s11 =	sshrl.u32 @!p1 s11, $0x3  }
0xf1: {  	s14 =	simm.s32 @!p1 $0x0;
	s29 =	simm.s32 @!p1 $0x1A00;
	s13 =	sadd.s32 @!p1 s1, s11  }
0xf2: {  	[tilespmem:s29], [sflag:$0x2] =	stream.linear.gather @!p1 [hbm4b:s13+s14], $0x1900, $0x38;
	[tilespmem:$0x12D00] =	vst v63  }
0xf3: {  	s11 =	sadd.s32 @!p1 s2, s11;
	s13 =	simm.s32 @!p1 $0x7E00  }
0xf4: {  	[tilespmem:s13], [sflag:$0x2] =	stream.linear.gather @!p1 [hbm4b:s11+s14], $0x1900, $0x38;
	[tilespmem:$0x12D00] =	vst v63  }
0xf5: {  	_ =	swait.ge [sflag:s25], $0x1900  }
0xf6: {  	[sflag:s25] =	ssyncset.done $0x0  }
0xf7: {  	[sflag:s25] =	ssyncadd.s32 $0xFFFFE700  }
0xf8: {  	_ =	swait.ge [sflag:s25], $0x1900  }
0xf9: {  	[sflag:s25] =	ssyncset.done $0x0  }
0xfa: {  	s11 =	simm.s32 @!p0 $0x8;
	[sflag:s25] =	ssyncadd.s32 $0xFFFFE700  }
0xfb: {  	_ =	swait.ge @!p0 [sflag:s11], $0x1900  }
0xfc: {  	[sflag:s11] =	ssyncset.done @!p0 $0x0  }
0xfd: {  	s14 =	simm.s32 $0xB040;
	[sflag:s11] =	ssyncadd.s32 @!p0 $0xFFFFE700  }
0xfe: {  	v2 =	vld [tilespmem:s14+$0x30]  }
0xff: {  	v3 =	vld [tilespmem:s14+$0xFFFFFFD0]  }
0x100: {  	s11 =	simm.s32 $0x4C40;
	v4 =	vld [tilespmem:s14+$0xFFFFFFE0]  }
0x101: {  	v5 =	vld [tilespmem:s11+$0x30]  }
0x102: {  	v11 =	vld [tilespmem:s14+$0x10]  }
0x103: {  	v12 =	vld [tilespmem:s14+$0x20]  }
0x104: {  	v16 =	vld [tilespmem:s14+$0xFFFFFFC0]  }
0x105: {  	v6 =	vadd.s32 $0xFFFFFFFF, v2  }
0x106: {  	v8 =	vld [tilespmem:s14+$0xFFFFFFF0];
	v2 =	vadd.s32 $0xFFFFFFFF, v3;
	v4 =	vadd.s32 $0xFFFFFFFF, v4;
	v3 =	vperm.xlane v0, v6  }
0x107: {  	v10 =	vld [tilespmem:s14+$0x0];
	v17 =	vadd.s32 $0xFFFFFFFF, v11;
	v13 =	vperm.xlane v0, v2;
	v2 =	vperm.xlane v1, v2  }
0x108: {  	v22 =	vadd.s32 $0xFFFFFFFF, v12;
	v14 =	vperm.xlane v1, v6;
	v7 =	vperm.xlane v0, v4  }
0x109: {  	v18 =	vld [tilespmem:s11+$0xFFFFFFD0];
	v19 =	vadd.s32 $0xFFFFFFFF, v16;
	v11 =	vperm.xlane v0, v17;
	v5 =	vmul.f32 v5, v3  }
0x10a: {  	v6 =	vld [tilespmem:s11+$0xFFFFFFC0];
	v12 =	vperm.xlane v0, v22;
	v20 =	vperm.xlane v0, v19  }
0x10b: {  	v3 =	vperm.xlane v1, v4;
	v4 =	vadd.s32 $0xFFFFFFFF, v8;
	v21 =	vadd.f32 v5, v14;
	v14 =	vld [tilespmem:s11+$0xFFFFFFE0]  }
0x10c: {  	v15 =	vld [tilespmem:s11+$0xFFFFFFF0];
	v19 =	vperm.xlane v1, v19;
	v8 =	vadd.s32 $0xFFFFFFFF, v10;
	v9 =	vperm.xlane v0, v4  }
0x10d: {  	v16 =	vld [tilespmem:s11+$0x0];
	v4 =	vperm.xlane v1, v4;
	v10 =	vperm.xlane v0, v8  }
0x10e: {  	s13 =	simm.s32 $0x11440;
	v5 =	vperm.xlane v1, v8;
	v8 =	vperm.xlane v1, v17;
	v17 =	vld [tilespmem:s11+$0x10]  }
0x10f: {  	s29 =	simm.s32 $0xB0C0;
	s14 =	simm.s32 $0x0;
	[tilespmem:s13+$0x30] =	vst v21;
	v21 =	vmul.f32 v18, v13;
	v13 =	vperm.xlane v1, v22;
	v18 =	vld [tilespmem:s11+$0x20]  }
.LBB2_9:
0x110: {  	v22 =	vld [tilespmem:s29+$0x30];
	s14 =	sadd.s32 $0x8, s14;
	v6 =	vmul.f32 v6, v20;
	v7 =	vmul.f32 v14, v7  }
0x111: {  	v14 =	vld [tilespmem:s29+$0xFFFFFFD0];
	p0 =	slt.u32 s14, $0x188;
	v2 =	vadd.f32 v21, v2;
	v9 =	vmul.f32 v15, v9  }
0x112: {  	s11 =	sadd.s32 $0x80, s11;
	v15 =	vld [tilespmem:s29+$0xFFFFFFE0];
	v6 =	vadd.f32 v6, v19;
	v3 =	vadd.f32 v7, v3;
	v7 =	vmul.f32 v16, v10  }
0x113: {  	v10 =	vld [tilespmem:s11+$0x30];
	[tilespmem:s13+$0xFFFFFFD0] =	vst v2;
	v2 =	vadd.f32 v9, v4;
	v4 =	vmul.f32 v17, v11  }
0x114: {  	v9 =	vld [tilespmem:s29+$0xFFFFFFF0];
	[tilespmem:s13+$0xFFFFFFC0] =	vst v6;
	v5 =	vadd.f32 v7, v5;
	v6 =	vmul.f32 v18, v12  }
0x115: {  	v11 =	vld [tilespmem:s29+$0x0];
	v7 =	vadd.s32 $0xFFFFFFFF, v22;
	[tilespmem:s13+$0xFFFFFFE0] =	vst v3;
	v3 =	vadd.f32 v4, v8  }
0x116: {  	v4 =	vadd.s32 $0xFFFFFFFF, v14;
	v8 =	vld [tilespmem:s29+$0x10];
	v12 =	vperm.xlane v0, v7;
	[tilespmem:s13+$0xFFFFFFF0] =	vst v2;
	v13 =	vadd.f32 v6, v13  }
0x117: {  	v18 =	vperm.xlane v0, v4;
	v2 =	vperm.xlane v1, v4;
	v4 =	vadd.s32 $0xFFFFFFFF, v15;
	v16 =	vld [tilespmem:s29+$0x20];
	[tilespmem:s13+$0x0] =	vst v5  }
0x118: {  	v5 =	vperm.xlane v1, v7;
	v17 =	vld [tilespmem:s29+$0xFFFFFFC0];
	v10 =	vmul.f32 v10, v12;
	[tilespmem:s13+$0x10] =	vst v3  }
0x119: {  	v7 =	vperm.xlane v0, v4;
	v3 =	vperm.xlane v1, v4;
	v6 =	vld [tilespmem:s11+$0xFFFFFFC0];
	v4 =	vadd.s32 $0xFFFFFFFF, v9;
	[tilespmem:s13+$0x20] =	vst v13  }
0x11a: {  	v13 =	vld [tilespmem:s11+$0xFFFFFFD0];
	v9 =	vperm.xlane v0, v4;
	v11 =	vadd.s32 $0xFFFFFFFF, v11;
	v12 =	vadd.f32 v10, v5  }
.Ltmp5:
0x11b: {  	s13 =	sadd.s32 $0x80, s13;
	v4 =	vperm.xlane v1, v4;
	v14 =	vld [tilespmem:s11+$0xFFFFFFE0];
	v10 =	vperm.xlane v0, v11;
	v8 =	vadd.s32 $0xFFFFFFFF, v8;
	(pc) =	sbr.rel @p0 .LBB2_9-.Ltmp5, $4  }
0x11c: {  	v5 =	vperm.xlane v1, v11;
	v15 =	vld [tilespmem:s11+$0xFFFFFFF0];
	v11 =	vperm.xlane v0, v8;
	v22 =	vadd.s32 $0xFFFFFFFF, v16;
	[tilespmem:s13+$0x30] =	vst v12  }
0x11d: {  	v8 =	vperm.xlane v1, v8;
	v17 =	vadd.s32 $0xFFFFFFFF, v17;
	v16 =	vld [tilespmem:s11+$0x0];
	v12 =	vperm.xlane v0, v22  }
0x11e: {  	v20 =	vperm.xlane v0, v17;
	v19 =	vperm.xlane v1, v17;
	v17 =	vld [tilespmem:s11+$0x10]  }
0x11f: {  	s29 =	sadd.s32 $0x80, s29;
	v21 =	vmul.f32 v13, v18;
	v13 =	vperm.xlane v1, v22;
	v18 =	vld [tilespmem:s11+$0x20]  }
0x120: {  	v6 =	vmul.f32 v6, v20  }
0x121: {  	v7 =	vmul.f32 v14, v7;
	v2 =	vadd.f32 v21, v2  }
0x122: {  	v9 =	vmul.f32 v15, v9;
	v6 =	vadd.f32 v6, v19  }
0x123: {  	v3 =	vadd.f32 v7, v3;
	v61 =	vmul.f32 v16, v10;
	[tilespmem:s13+$0xFFFFFFD0] =	vst v2  }
0x124: {  	v2 =	vadd.f32 v9, v4;
	v62 =	vmul.f32 v17, v11;
	[tilespmem:s13+$0xFFFFFFC0] =	vst v6  }
0x125: {  	v5 =	vadd.f32 v61, v5;
	v63 =	vmul.f32 v18, v12;
	[tilespmem:s13+$0xFFFFFFE0] =	vst v3  }
.Ltmp6:
0x126: {  	v3 =	vadd.f32 v62, v8;
	[tilespmem:s13+$0xFFFFFFF0] =	vst v2;
	(pc) =	sbr.rel @p1 .LBB2_12-.Ltmp6, $4  }
0x127: {  	v2 =	vadd.f32 v63, v13;
	[tilespmem:s13+$0x0] =	vst v5  }
0x128: {  	[tilespmem:s13+$0x10] =	vst v3  }
0x129: {  	s9 =	sadd.s32 s6, s9;
	[tilespmem:s13+$0x20] =	vst v2  }
0x12a: {  	[hbm4b:s9+s7] =	stream.linear.scatter [tilespmem:s30], [sflag:$0x8], $0x1900, $0x38;
	[tilespmem:$0x12D00] =	vst v63  }
0x12b: {  	s9 =	sadd.s32 s21, s20  }
.Ltmp7:
0x12c: {  	s9 =	sshrl.u32 s9, $0x3;
	(pc) =	sbr.rel .LBB2_2-.Ltmp7, $4  }
0x12d: {  	s11 =	sadd.s32 s1, s9  }
0x12e: {  	[tilespmem:s26], [sflag:$0x3] =	stream.linear.gather [hbm4b:s11+s7], $0x1900, $0x38;
	[tilespmem:$0x12D00] =	vst v63  }
0x12f: {  	s16 =	sadd.s32 $0x1, s16;
	s9 =	sadd.s32 s2, s9  }
0x130: {  	[tilespmem:s28], [sflag:$0x3] =	stream.linear.gather [hbm4b:s9+s7], $0x1900, $0x38;
	[tilespmem:$0x12D00] =	vst v63  }
.LBB2_13:
0x131: {  	_ =	sfence.sel $0x180000  }
0x132: {  	[bflag:$0x0] =	sbarrier.arrive $0xFFFF  }
0x133: {  	_ =	strace $0x90000047  }
0x134: {  	s0 =	stileid.u32;
	[bflag:$0x2] =	sbarrier.arrive $0xFFFF  }
0x135: {  	p0 =	sne.s32 s0, $0x0;
	s0 =	rddreg [dreg:$0x5]  }
0x136: {  	s0 =	sadd.s32 @!p0 $0x100000, s0  }
0x137: {  	[sflag:s0] =	ssyncadd.tile.s32 @!p0 $0x1;
	_ =	shalt  }
.Lfunc_end2:
_tile_overlayer_lowered:
.L_overlay_start_2:
0x138: {  	(tag) =	ssettag $0x2  }
0x139: {  	s0 =	rddreg [dreg:$0x0];
	s2 =	stileid.u32  }
0x13a: {  	s1 =	rddreg [dreg:$0x1];
	p0 =	sne.s32 s2, $0x0  }
0x13b: {  	s3 =	rddreg [dreg:$0x2];
	[bflag:$0x3] =	sbarrier.arrive $0xFFFF;
	s2 =	simm.s32 @!p0 $0x1C09  }
0x13c: {  	[timem:s3], [sflag:s2] =	dma.local @!p0 [hbm:s0], s1  }
0x13d: {  	s0 =	simm.s32 @!p0 $0x9  }
0x13e: {  	_ =	swait.ge @!p0 [sflag:s0], s1  }
0x13f: {  	s1 =	ssub.s32 @!p0 $0x0, s1;
	[sflag:s0] =	ssyncset.done @!p0 $0x0  }
0x140: {  	[sflag:s0] =	ssyncadd.s32 @!p0 s1  }
0x141: {  	[bflag:$0x3] =	sbarrier.arrive $0xFFFF  }
0x142: {  	_ =	shalt  }

</sc_bundles>
